<compile_context>
chip_gen: v7x
topology: tpu7x:2x2x1
jax: 0.10.2.dev20260603
libtpu: 0.0.44.dev20260713+nightly
codegen_flags: <defaults>
</compile_context>

<pallas_src>
import functools

import numpy as np
import jax
import jax.numpy as jnp
from jax import lax
from jax.experimental import pallas as pl
from jax.experimental.pallas import tpu as pltpu
from jax.experimental.pallas import tpu_sc as plsc

NSF = 16
EDGE_FEAT = 48
HID = 48
WNUM = 384
N_NODES = 50000
N_EDGES = 800000
EB = 3200
NB = 2000
CHA = 1000
CHC = 400
ROWS_PER_TILE = N_NODES // 16

_PERM = np.empty(WNUM, np.int32)
for _u in range(16):
    for _t in range(24):
        if _t < 16:
            _src = _u * 16 + _t
        elif _t < 20:
            _src = 256 + _u * 4 + (_t - 16)
        else:
            _src = 320 + _u * 4 + (_t - 20)
        _PERM[_u * 24 + _t] = _src



def _gather_body(node_hbm, dst_hbm, x_hbm, idx_v, rows_v, sem):
    c = lax.axis_index("c")
    s = lax.axis_index("s")
    wid = s * 2 + c
    per_w = N_EDGES // 32
    base = wid * per_w

    def step(i, _):
        off = base + i * CHA
        pltpu.sync_copy(dst_hbm.at[pl.ds(off, CHA)], idx_v)
        pltpu.async_copy(node_hbm.at[idx_v], rows_v, sem).wait()
        pltpu.sync_copy(rows_v, x_hbm.at[pl.ds(off, CHA)])
        return ()

    lax.fori_loop(0, per_w // CHA, step, ())


def _sc_gather(node_attr, edge_dst):
    mesh = plsc.VectorSubcoreMesh(core_axis_name="c", subcore_axis_name="s")
    k = functools.partial(
        pl.kernel,
        out_type=jax.ShapeDtypeStruct((N_EDGES, NSF), jnp.float32),
        mesh=mesh,
        scratch_types=[
            pltpu.VMEM((CHA,), jnp.int32),
            pltpu.VMEM((CHA, NSF), jnp.float32),
            pltpu.SemaphoreType.DMA,
        ],
        compiler_params=pltpu.CompilerParams(use_tc_tiling_on_sc=False),
    )(_gather_body)
    return k(node_attr, edge_dst)



_R = np.zeros((16, 384), np.float32)
_S = np.zeros((384, 24), np.float32)
for _u in range(16):
    for _t in range(24):
        _R[_u, _u * 24 + _t] = 1.0
        _S[_u * 24 + _t, _t] = 0.25
_P1 = np.zeros((2, 24, 32), np.float32)
_P2 = np.zeros((2, 9, 32), np.float32)
for _m in range(16):
    _P1[0, _m, _m] = 1.0
    _P2[0, 0, _m] = 1.0
for _m in range(12):
    _half, _col = (0, 16 + _m) if _m < 8 else (1, _m - 8)
    _P1[_half, 16 + _m // 3, _col] = 1.0
    _P2[_half, 1 + _m % 3, _col] = 1.0
for _m in range(20):
    _P1[1, 20 + _m // 5, 4 + _m] = 1.0
    _P2[1, 4 + _m % 5, 4 + _m] = 1.0
_BONE = np.zeros((1, 32), np.float32)
_BONE[0, 24] = 1.0


QB = EB // 4


def _tp_body(eat_hbm, sht_hbm, x0_ref, x1_ref, x2_ref, x3_ref,
             w1_ref, b1_ref, w2_ref, b2_ref,
             r_ref, s_ref, p1_ref, p2_ref, bone_ref,
             out_ref, ea_v, sh_v, sem):
    i = pl.program_id(0)
    n = pl.num_programs(0)

    def start_copies(blk, slot):
        pltpu.make_async_copy(eat_hbm.at[:, pl.ds(blk * EB, EB)],
                              ea_v.at[slot], sem.at[slot, 0]).start()
        pltpu.make_async_copy(sht_hbm.at[:, pl.ds(blk * EB, EB)],
                              sh_v.at[slot], sem.at[slot, 1]).start()

    slot = lax.rem(i, 2)

    @pl.when(i == 0)
    def _():
        start_copies(0, 0)

    @pl.when(i + 1 < n)
    def _():
        start_copies(i + 1, lax.rem(i + 1, 2))

    pltpu.make_async_copy(eat_hbm.at[:, pl.ds(i * EB, EB)],
                          ea_v.at[slot], sem.at[slot, 0]).wait()
    pltpu.make_async_copy(sht_hbm.at[:, pl.ds(i * EB, EB)],
                          sh_v.at[slot], sem.at[slot, 1]).wait()

    eat = ea_v[slot]
    x = jnp.concatenate([x0_ref[...], x1_ref[...], x2_ref[...], x3_ref[...]],
                        axis=0)
    sht = sh_v[slot]
    bone = bone_ref[...]
    tdn = (((0,), (0,)), ((), ()))
    h = jnp.maximum(
        lax.dot_general(eat, w1_ref[...], tdn,
                        preferred_element_type=jnp.float32) + b1_ref[...], 0.0)
    w = jnp.dot(h, w2_ref[...], preferred_element_type=jnp.float32) + b2_ref[...]
    x2 = jnp.dot(x, r_ref[...], preferred_element_type=jnp.float32)
    c = jnp.dot(w * x2, s_ref[...], preferred_element_type=jnp.float32)
    lo = (jnp.dot(c, p1_ref[0], preferred_element_type=jnp.float32)
          * lax.dot_general(sht, p2_ref[0], tdn,
                            preferred_element_type=jnp.float32) + bone)
    hi = (jnp.dot(c, p1_ref[1], preferred_element_type=jnp.float32)
          * lax.dot_general(sht, p2_ref[1], tdn,
                            preferred_element_type=jnp.float32) + bone)
    out_ref[0] = jnp.concatenate(
        [lo[r * QB:(r + 1) * QB] for r in range(4)], axis=1)
    out_ref[1] = jnp.concatenate(
        [hi[r * QB:(r + 1) * QB] for r in range(4)], axis=1)


def _tc_tp(ea_t, x, sh_t, w1, b1, w2p, b2p):
    nblk = N_EDGES // EB
    specs = [
        pl.BlockSpec(memory_space=pl.ANY),
        pl.BlockSpec(memory_space=pl.ANY),
    ] + [
        pl.BlockSpec((QB, NSF), lambda i, r=r: (4 * i + r, 0)) for r in range(4)
    ] + [
        pl.BlockSpec((EDGE_FEAT, HID), lambda i: (0, 0)),
        pl.BlockSpec((1, HID), lambda i: (0, 0)),
        pl.BlockSpec((HID, WNUM), lambda i: (0, 0)),
        pl.BlockSpec((1, WNUM), lambda i: (0, 0)),
        pl.BlockSpec((NSF, WNUM), lambda i: (0, 0)),
        pl.BlockSpec((WNUM, 24), lambda i: (0, 0)),
        pl.BlockSpec((2, 24, 32), lambda i: (0, 0, 0)),
        pl.BlockSpec((2, 9, 32), lambda i: (0, 0, 0)),
        pl.BlockSpec((1, 32), lambda i: (0, 0)),
    ]
    return pl.pallas_call(
        _tp_body,
        grid=(nblk,),
        in_specs=specs,
        out_specs=pl.BlockSpec((2, QB, 128), lambda i: (0, i, 0)),
        out_shape=jax.ShapeDtypeStruct((2, N_EDGES // 4, 128), jnp.float32),
        scratch_shapes=[
            pltpu.VMEM((2, EDGE_FEAT, EB), jnp.float32),
            pltpu.VMEM((2, 9, EB), jnp.float32),
            pltpu.SemaphoreType.DMA((2, 2)),
        ],
    )(ea_t, sh_t, x, x, x, x,
      w1, b1, w2p, b2p,
      jnp.asarray(_R), jnp.asarray(_S), jnp.asarray(_P1), jnp.asarray(_P2),
      jnp.asarray(_BONE))



def _scatter_body(tp_hbm, src_hbm, z_hbm, out_hbm, idx_v, tp_v, acc_s, sem):
    c = lax.axis_index("c")
    s = lax.axis_index("s")
    pltpu.sync_copy(z_hbm, acc_s.at[pl.ds(s * ROWS_PER_TILE, ROWS_PER_TILE)])
    plsc.subcore_barrier()

    per_t = N_EDGES // 16
    base = s * per_t
    n = per_t // CHC

    def start(i, slot):
        off = base + i * CHC
        pltpu.async_copy(src_hbm.at[pl.ds(off, CHC)], idx_v.at[slot],
                         sem.at[slot, 0])
        pltpu.async_copy(tp_hbm.at[c, pl.ds(off, CHC)], tp_v.at[slot],
                         sem.at[slot, 1])

    def wait(i, slot):
        off = base + i * CHC
        pltpu.make_async_copy(src_hbm.at[pl.ds(off, CHC)], idx_v.at[slot],
                              sem.at[slot, 0]).wait()
        pltpu.make_async_copy(tp_hbm.at[c, pl.ds(off, CHC)], tp_v.at[slot],
                              sem.at[slot, 1]).wait()

    start(0, 0)

    def step(i, _):
        slot = lax.rem(i, 2)

        @pl.when(i + 1 < n)
        def _():
            start(i + 1, lax.rem(i + 1, 2))

        wait(i, slot)
        pltpu.sync_copy(tp_v.at[slot], acc_s.at[idx_v.at[slot]], add=True)
        return ()

    lax.fori_loop(0, n, step, ())
    plsc.subcore_barrier()
    pltpu.sync_copy(acc_s.at[pl.ds(s * ROWS_PER_TILE, ROWS_PER_TILE)],
                    out_hbm.at[c, pl.ds(s * ROWS_PER_TILE, ROWS_PER_TILE)])


def _sc_scatter(tp, edge_src, zrows):
    mesh = plsc.VectorSubcoreMesh(core_axis_name="c", subcore_axis_name="s")
    k = functools.partial(
        pl.kernel,
        out_type=jax.ShapeDtypeStruct((2, N_NODES, 32), jnp.float32),
        mesh=mesh,
        scratch_types=[
            pltpu.VMEM((2, CHC), jnp.int32),
            pltpu.VMEM((2, CHC, 32), jnp.float32),
            pltpu.VMEM_SHARED((N_NODES, 32), jnp.float32),
            pltpu.SemaphoreType.DMA((2, 2)),
        ],
        compiler_params=pltpu.CompilerParams(use_tc_tiling_on_sc=False),
    )(_scatter_body)
    return k(tp, edge_src, zrows)



def _mean_body(acc_ref, na_ref, out_ref):
    lo = acc_ref[0]
    hi = acc_ref[1]
    cnt = jnp.maximum(lo[:, 24:25], 1.0)
    sums = jnp.concatenate([lo[:, 0:24], hi[:, 0:24]], axis=1)
    res = jnp.concatenate(
        [na_ref[...], jnp.zeros((NB, 32), jnp.float32)], axis=1)
    out_ref[...] = sums / cnt + res


def _tc_mean(acc, node_attr):
    grid = (N_NODES // NB,)
    return pl.pallas_call(
        _mean_body,
        grid=grid,
        in_specs=[
            pl.BlockSpec((2, NB, 32), lambda i: (0, i, 0)),
            pl.BlockSpec((NB, NSF), lambda i: (i, 0)),
        ],
        out_specs=pl.BlockSpec((NB, 48), lambda i: (i, 0)),
        out_shape=jax.ShapeDtypeStruct((N_NODES, 48), jnp.float32),
    )(acc, node_attr)



def kernel(node_attr, edge_index, edge_attr, edge_sh, fc1_w, fc1_b, fc2_w, fc2_b):
    ei = edge_index.astype(jnp.int32)
    edge_src = ei[0]
    edge_dst = ei[1]
    w2p = jnp.take(fc2_w, _PERM, axis=1)
    b2p = jnp.take(fc2_b, _PERM).reshape(1, WNUM)
    b1 = fc1_b.reshape(1, HID)
    zrows = jnp.zeros((ROWS_PER_TILE, 32), jnp.float32)

    x = _sc_gather(node_attr, edge_dst)
    tp128 = _tc_tp(edge_attr.T, x, edge_sh.T, fc1_w, b1, w2p, b2p)
    tp = jnp.reshape(tp128, (2, N_EDGES, 32))
    src_perm = jnp.reshape(edge_src, (N_EDGES // EB, 4, QB)
                           ).transpose(0, 2, 1).reshape(N_EDGES)
    acc = _sc_scatter(tp, src_perm, zrows)
    return _tc_mean(acc, node_attr)

# --- scband reference (transcript-rebuilt; emitter-appended) ---
"""Pipeline reference for scband-tensor-product-score-model-23854248362257 (READ-ONLY COPY).

The authoritative reference and input builder live on the scoring server;
editing this copy changes nothing except your own understanding.
"""

import jax, jax.numpy as jnp
import numpy as np

NS = 16
N_EDGE_FEAT = 48
HIDDEN = 48
WEIGHT_NUMEL = NS * NS + NS * 4 + NS * 4  # 384: paths 0e*0e->16x0e, 0e*1o->4x1o, 0e*2e->4x2e
OUT_DIM = NS + 4 * 3 + 4 * 5  # 48


def setup_inputs(seed: int = 0) -> dict:
    key = jax.random.key(seed)
    ks = jax.random.split(key, 10)
    n_nodes = 50000
    n_edges = 800000
    node_attr = jax.random.normal(ks[0], (n_nodes, NS), dtype=jnp.float32)
    edge_index = jax.random.randint(ks[1], (2, n_edges), 0, n_nodes, dtype=jnp.int64)
    edge_attr = jax.random.normal(ks[2], (n_edges, N_EDGE_FEAT), dtype=jnp.float32)
    edge_sh = jax.random.normal(ks[3], (n_edges, 9), dtype=jnp.float32)
    # fc: Linear(48 -> 48) -> ReLU -> Linear(48 -> weight_numel)
    fc1_w = jax.random.normal(ks[4], (N_EDGE_FEAT, HIDDEN), dtype=jnp.float32) / jnp.sqrt(N_EDGE_FEAT)
    fc1_b = jnp.zeros((HIDDEN,), dtype=jnp.float32)
    fc2_w = jax.random.normal(ks[5], (HIDDEN, WEIGHT_NUMEL), dtype=jnp.float32) / jnp.sqrt(HIDDEN)
    fc2_b = jnp.zeros((WEIGHT_NUMEL,), dtype=jnp.float32)
    return {"node_attr": node_attr, "edge_index": edge_index, "edge_attr": edge_attr,
            "edge_sh": edge_sh, "fc1_w": fc1_w, "fc1_b": fc1_b, "fc2_w": fc2_w, "fc2_b": fc2_b}


def reference(node_attr, edge_index, edge_attr, edge_sh, fc1_w, fc1_b, fc2_w, fc2_b):
    # TensorProductConvLayer.forward (DiffDock): per-edge fully-connected tensor product
    # of gathered destination-node scalar features (16x0e) with spherical harmonics
    # (1x0e+1x1o+1x2e), edge-dependent weights from fc(edge_attr), scatter-mean to src nodes,
    # residual via zero-padding. batch_norm=False.
    edge_src = edge_index[0]
    edge_dst = edge_index[1]
    n_nodes = node_attr.shape[0]
    n_edges = edge_attr.shape[0]

    # fc(edge_attr) -> per-edge tensor-product weights
    h = jnp.maximum(edge_attr @ fc1_w + fc1_b, 0.0)
    w = h @ fc2_w + fc2_b  # [E, 384]

    x = jnp.take(node_attr, edge_dst, axis=0)  # gather: [E, 16]

    inv_sqrt_fan = 1.0 / jnp.sqrt(float(NS))
    # path 1: 16x0e (x) 1x0e -> 16x0e
    w0 = w[:, : NS * NS].reshape(n_edges, NS, NS)
    out0 = jnp.einsum('eu,euv->ev', x, w0) * edge_sh[:, 0:1] * inv_sqrt_fan  # [E, 16]
    # path 2: 16x0e (x) 1x1o -> 4x1o
    w1 = w[:, NS * NS: NS * NS + NS * 4].reshape(n_edges, NS, 4)
    c1 = jnp.einsum('eu,euv->ev', x, w1) * inv_sqrt_fan  # [E, 4]
    out1 = (c1[:, :, None] * edge_sh[:, None, 1:4]).reshape(n_edges, 12)
    # path 3: 16x0e (x) 1x2e -> 4x2e
    w2 = w[:, NS * NS + NS * 4:].reshape(n_edges, NS, 4)
    c2 = jnp.einsum('eu,euv->ev', x, w2) * inv_sqrt_fan  # [E, 4]
    out2 = (c2[:, :, None] * edge_sh[:, None, 4:9]).reshape(n_edges, 20)

    tp = jnp.concatenate([out0, out1, out2], axis=1)  # [E, 48]

    # scatter(tp, edge_src, dim=0, dim_size=n_nodes, reduce='mean')
    summed = jax.ops.segment_sum(tp, edge_src, num_segments=n_nodes)
    counts = jax.ops.segment_sum(jnp.ones((n_edges, 1), dtype=tp.dtype), edge_src, num_segments=n_nodes)
    out = summed / jnp.maximum(counts, 1.0)

    # residual: F.pad(node_attr, (0, out_dim - in_dim)) + out
    padded = jnp.pad(node_attr, ((0, 0), (0, OUT_DIM - NS)))
    return out + padded

if __name__ == "__main__":
    import jax
    _d = setup_inputs()
    print(jax.jit(kernel)(*tuple(_d.values())))

</pallas_src>

<mosaic_0001>
#map = affine_map<(d0, d1) -> (0, 0, 0)>
#map1 = affine_map<(d0, d1) -> (0)>
#map2 = affine_map<(d0, d1) -> (0, 0)>
module attributes {stable_mosaic.version = 14 : i64} {
  func.func @_scatter_body(%arg0: i32, %arg1: i32, %arg2: memref<2x800000x32xf32, #tpu.memory_space<hbm>>, %arg3: memref<800000xi32, #tpu.memory_space<hbm>>, %arg4: memref<3125x32xf32, #tpu.memory_space<hbm>>, %arg5: memref<2x50000x32xf32, #tpu.memory_space<hbm>>, %arg6: memref<2x400xi32, #tpu.memory_space<vmem>>, %arg7: memref<2x400x32xf32, #tpu.memory_space<vmem>>, %arg8: memref<50000x32xf32, #tpu.memory_space<vmem_shared>>, %arg9: memref<2x2x!tpu.dma_semaphore, #tpu.memory_space<semaphore_mem>>) attributes {dimension_semantics = [#tpu.dimension_semantics<core_parallel>, #tpu.dimension_semantics<subcore_parallel>], iteration_bounds = array<i64: 2, 16>, scalar_prefetch = 0 : i64, scratch_operands = 4 : i64, tpu.core_type = #tpu.core_type<sc_vector_subcore>, window_params = [{transform_indices = #map}, {transform_indices = #map1}, {transform_indices = #map2}, {transform_indices = #map}]} {
    %mul3A = arith.constant 3125 : i32
    %mul3A_0 = arith.muli %arg1, %mul3A : i32
    "tpu.region"() ({
      %run_scoped3A = tpu.sem_alloc : memref<!tpu.dma_semaphore, #tpu.memory_space<semaphore_mem>>
      %dma_start3A_44 = arith.constant 0 : i32
      %dma_start3A_45 = tpu.memref_slice %arg8[%mul3A_0, %dma_start3A_44] : memref<50000x32xf32, #tpu.memory_space<vmem_shared>> -> memref<3125x32xf32, #tpu.memory_space<vmem_shared>>
      tpu.enqueue_dma source(%arg4 : memref<3125x32xf32, #tpu.memory_space<hbm>>) target(%dma_start3A_45 : memref<3125x32xf32, #tpu.memory_space<vmem_shared>>) target_semaphore(%run_scoped3A : memref<!tpu.dma_semaphore, #tpu.memory_space<semaphore_mem>>)
      %dma_wait3A = arith.constant 0 : i32
      %dma_wait3A_46 = tpu.memref_slice %arg8[%mul3A_0, %dma_wait3A] : memref<50000x32xf32, #tpu.memory_space<vmem_shared>> -> memref<3125x32xf32, #tpu.memory_space<vmem_shared>>
      tpu.wait_dma2 semaphore(%run_scoped3A : memref<!tpu.dma_semaphore, #tpu.memory_space<semaphore_mem>>) src(%arg4 : memref<3125x32xf32, #tpu.memory_space<hbm>>) dst(%dma_wait3A_46 : memref<3125x32xf32, #tpu.memory_space<vmem_shared>>)
      tpu.yield
    }) : () -> ()
    %barrier3A = arith.constant 0 : index
    tpu.barrier barrier_id(%barrier3A)
    %mul3A_1 = arith.constant 50000 : i32
    %mul3A_2 = arith.muli %arg1, %mul3A_1 : i32
    %add3A = arith.constant 0 : i32
    %add3A_3 = arith.addi %mul3A_2, %add3A : i32
    %dma_start3A = arith.constant 0 : i32
    %dma_start3A_4 = arith.constant 0 : i32
    %dma_start3A_5 = arith.constant 0 : i32
    %dma_start3A_6 = arith.constant 0 : i32
    %dma_start3A_7 = tpu.memref_slice %arg6[%dma_start3A, %dma_start3A_6] : memref<2x400xi32, #tpu.memory_space<vmem>> -> memref<1x400xi32, #tpu.memory_space<vmem>>
    %dma_start3A_8 = tpu.memref_squeeze %dma_start3A_7 : memref<1x400xi32, #tpu.memory_space<vmem>> -> memref<400xi32, #tpu.memory_space<vmem>>
    %dma_start3A_9 = tpu.memref_slice %arg3[%add3A_3] : memref<800000xi32, #tpu.memory_space<hbm>> -> memref<400xi32, #tpu.memory_space<hbm>>
    %dma_start3A_10 = tpu.memref_slice %arg9[%dma_start3A_4, %dma_start3A_5] : memref<2x2x!tpu.dma_semaphore, #tpu.memory_space<semaphore_mem>> -> memref<1x1x!tpu.dma_semaphore, #tpu.memory_space<semaphore_mem>>
    %dma_start3A_11 = tpu.memref_squeeze %dma_start3A_10 : memref<1x1x!tpu.dma_semaphore, #tpu.memory_space<semaphore_mem>> -> memref<!tpu.dma_semaphore, #tpu.memory_space<semaphore_mem>>
    %dma_start3A_12 = arith.constant 0 : i32
    %dma_start3A_13 = tpu.memref_slice %arg6[%dma_start3A, %dma_start3A_12] : memref<2x400xi32, #tpu.memory_space<vmem>> -> memref<1x400xi32, #tpu.memory_space<vmem>>
    %dma_start3A_14 = tpu.memref_squeeze %dma_start3A_13 : memref<1x400xi32, #tpu.memory_space<vmem>> -> memref<400xi32, #tpu.memory_space<vmem>>
    %dma_start3A_15 = tpu.memref_slice %arg3[%add3A_3] : memref<800000xi32, #tpu.memory_space<hbm>> -> memref<400xi32, #tpu.memory_space<hbm>>
    tpu.enqueue_dma source(%dma_start3A_15 : memref<400xi32, #tpu.memory_space<hbm>>) target(%dma_start3A_14 : memref<400xi32, #tpu.memory_space<vmem>>) target_semaphore(%dma_start3A_11 : memref<!tpu.dma_semaphore, #tpu.memory_space<semaphore_mem>>)
    %dma_start3A_16 = arith.constant 0 : i32
    %dma_start3A_17 = arith.constant 0 : i32
    %dma_start3A_18 = arith.constant 1 : i32
    %dma_start3A_19 = arith.constant 0 : i32
    %dma_start3A_20 = arith.constant 0 : i32
    %dma_start3A_21 = tpu.memref_slice %arg7[%dma_start3A_16, %dma_start3A_19, %dma_start3A_20] : memref<2x400x32xf32, #tpu.memory_space<vmem>> -> memref<1x400x32xf32, #tpu.memory_space<vmem>>
    %dma_start3A_22 = tpu.memref_squeeze %dma_start3A_21 : memref<1x400x32xf32, #tpu.memory_space<vmem>> -> memref<400x32xf32, #tpu.memory_space<vmem>>
    %dma_start3A_23 = arith.constant 0 : i32
    %dma_start3A_24 = tpu.memref_slice %arg2[%arg0, %add3A_3, %dma_start3A_23] : memref<2x800000x32xf32, #tpu.memory_space<hbm>> -> memref<1x400x32xf32, #tpu.memory_space<hbm>>
    %dma_start3A_25 = tpu.memref_squeeze %dma_start3A_24 : memref<1x400x32xf32, #tpu.memory_space<hbm>> -> memref<400x32xf32, #tpu.memory_space<hbm>>
    %dma_start3A_26 = tpu.memref_slice %arg9[%dma_start3A_17, %dma_start3A_18] : memref<2x2x!tpu.dma_semaphore, #tpu.memory_space<semaphore_mem>> -> memref<1x1x!tpu.dma_semaphore, #tpu.memory_space<semaphore_mem>>
    %dma_start3A_27 = tpu.memref_squeeze %dma_start3A_26 : memref<1x1x!tpu.dma_semaphore, #tpu.memory_space<semaphore_mem>> -> memref<!tpu.dma_semaphore, #tpu.memory_space<semaphore_mem>>
    %dma_start3A_28 = arith.constant 0 : i32
    %dma_start3A_29 = arith.constant 0 : i32
    %dma_start3A_30 = tpu.memref_slice %arg7[%dma_start3A_16, %dma_start3A_28, %dma_start3A_29] : memref<2x400x32xf32, #tpu.memory_space<vmem>> -> memref<1x400x32xf32, #tpu.memory_space<vmem>>
    %dma_start3A_31 = tpu.memref_squeeze %dma_start3A_30 : memref<1x400x32xf32, #tpu.memory_space<vmem>> -> memref<400x32xf32, #tpu.memory_space<vmem>>
    %dma_start3A_32 = arith.constant 0 : i32
    %dma_start3A_33 = tpu.memref_slice %arg2[%arg0, %add3A_3, %dma_start3A_32] : memref<2x800000x32xf32, #tpu.memory_space<hbm>> -> memref<1x400x32xf32, #tpu.memory_space<hbm>>
    %dma_start3A_34 = tpu.memref_squeeze %dma_start3A_33 : memref<1x400x32xf32, #tpu.memory_space<hbm>> -> memref<400x32xf32, #tpu.memory_space<hbm>>
    tpu.enqueue_dma source(%dma_start3A_34 : memref<400x32xf32, #tpu.memory_space<hbm>>) target(%dma_start3A_31 : memref<400x32xf32, #tpu.memory_space<vmem>>) target_semaphore(%dma_start3A_27 : memref<!tpu.dma_semaphore, #tpu.memory_space<semaphore_mem>>)
    %scan3A = arith.constant 0 : i32
    %scan3A_35 = arith.constant 125 : i32
    %scan3A_36 = arith.addi %scan3A, %scan3A_35 : i32
    %scan3A_37 = arith.constant 1 : i32
    scf.for %scan3A_44 = %scan3A to %scan3A_36 step %scan3A_37  : i32 {
      %rem3A = arith.constant 2 : i32
      %rem3A_45 = arith.remsi %scan3A_44, %rem3A : i32
      %add3A_46 = arith.constant 1 : i32
      %add3A_47 = arith.addi %scan3A_44, %add3A_46 : i32
      %lt3A = arith.constant 125 : i32
      %lt3A_48 = arith.cmpi slt, %add3A_47, %lt3A : i32
      %convert_element_type3A = arith.extui %lt3A_48 : i1 to i32
      %cond3A = arith.constant 0 : i32
      %cond3A_49 = arith.cmpi ne, %convert_element_type3A, %cond3A : i32
      scf.if %cond3A_49 {
        %add3A_80 = arith.constant 1 : i32
        %add3A_81 = arith.addi %scan3A_44, %add3A_80 : i32
        %add3A_82 = arith.constant 1 : i32
        %add3A_83 = arith.addi %scan3A_44, %add3A_82 : i32
        %rem3A_84 = arith.constant 2 : i32
        %rem3A_85 = arith.remsi %add3A_83, %rem3A_84 : i32
        %mul3A_86 = arith.constant 400 : i32
        %mul3A_87 = arith.muli %add3A_81, %mul3A_86 : i32
        %add3A_88 = arith.addi %mul3A_2, %mul3A_87 : i32
        %dma_start3A_89 = arith.constant 0 : i32
        %dma_start3A_90 = arith.constant 0 : i32
        %dma_start3A_91 = tpu.memref_slice %arg6[%rem3A_85, %dma_start3A_90] : memref<2x400xi32, #tpu.memory_space<vmem>> -> memref<1x400xi32, #tpu.memory_space<vmem>>
        %dma_start3A_92 = tpu.memref_squeeze %dma_start3A_91 : memref<1x400xi32, #tpu.memory_space<vmem>> -> memref<400xi32, #tpu.memory_space<vmem>>
        %dma_start3A_93 = tpu.memref_slice %arg3[%add3A_88] : memref<800000xi32, #tpu.memory_space<hbm>> -> memref<400xi32, #tpu.memory_space<hbm>>
        %dma_start3A_94 = tpu.memref_slice %arg9[%rem3A_85, %dma_start3A_89] : memref<2x2x!tpu.dma_semaphore, #tpu.memory_space<semaphore_mem>> -> memref<1x1x!tpu.dma_semaphore, #tpu.memory_space<semaphore_mem>>
        %dma_start3A_95 = tpu.memref_squeeze %dma_start3A_94 : memref<1x1x!tpu.dma_semaphore, #tpu.memory_space<semaphore_mem>> -> memref<!tpu.dma_semaphore, #tpu.memory_space<semaphore_mem>>
        %dma_start3A_96 = arith.constant 0 : i32
        %dma_start3A_97 = tpu.memref_slice %arg6[%rem3A_85, %dma_start3A_96] : memref<2x400xi32, #tpu.memory_space<vmem>> -> memref<1x400xi32, #tpu.memory_space<vmem>>
        %dma_start3A_98 = tpu.memref_squeeze %dma_start3A_97 : memref<1x400xi32, #tpu.memory_space<vmem>> -> memref<400xi32, #tpu.memory_space<vmem>>
        %dma_start3A_99 = tpu.memref_slice %arg3[%add3A_88] : memref<800000xi32, #tpu.memory_space<hbm>> -> memref<400xi32, #tpu.memory_space<hbm>>
        tpu.enqueue_dma source(%dma_start3A_99 : memref<400xi32, #tpu.memory_space<hbm>>) target(%dma_start3A_98 : memref<400xi32, #tpu.memory_space<vmem>>) target_semaphore(%dma_start3A_95 : memref<!tpu.dma_semaphore, #tpu.memory_space<semaphore_mem>>)
        %dma_start3A_100 = arith.constant 1 : i32
        %dma_start3A_101 = arith.constant 0 : i32
        %dma_start3A_102 = arith.constant 0 : i32
        %dma_start3A_103 = tpu.memref_slice %arg7[%rem3A_85, %dma_start3A_101, %dma_start3A_102] : memref<2x400x32xf32, #tpu.memory_space<vmem>> -> memref<1x400x32xf32, #tpu.memory_space<vmem>>
        %dma_start3A_104 = tpu.memref_squeeze %dma_start3A_103 : memref<1x400x32xf32, #tpu.memory_space<vmem>> -> memref<400x32xf32, #tpu.memory_space<vmem>>
        %dma_start3A_105 = arith.constant 0 : i32
        %dma_start3A_106 = tpu.memref_slice %arg2[%arg0, %add3A_88, %dma_start3A_105] : memref<2x800000x32xf32, #tpu.memory_space<hbm>> -> memref<1x400x32xf32, #tpu.memory_space<hbm>>
        %dma_start3A_107 = tpu.memref_squeeze %dma_start3A_106 : memref<1x400x32xf32, #tpu.memory_space<hbm>> -> memref<400x32xf32, #tpu.memory_space<hbm>>
        %dma_start3A_108 = tpu.memref_slice %arg9[%rem3A_85, %dma_start3A_100] : memref<2x2x!tpu.dma_semaphore, #tpu.memory_space<semaphore_mem>> -> memref<1x1x!tpu.dma_semaphore, #tpu.memory_space<semaphore_mem>>
        %dma_start3A_109 = tpu.memref_squeeze %dma_start3A_108 : memref<1x1x!tpu.dma_semaphore, #tpu.memory_space<semaphore_mem>> -> memref<!tpu.dma_semaphore, #tpu.memory_space<semaphore_mem>>
        %dma_start3A_110 = arith.constant 0 : i32
        %dma_start3A_111 = arith.constant 0 : i32
        %dma_start3A_112 = tpu.memref_slice %arg7[%rem3A_85, %dma_start3A_110, %dma_start3A_111] : memref<2x400x32xf32, #tpu.memory_space<vmem>> -> memref<1x400x32xf32, #tpu.memory_space<vmem>>
        %dma_start3A_113 = tpu.memref_squeeze %dma_start3A_112 : memref<1x400x32xf32, #tpu.memory_space<vmem>> -> memref<400x32xf32, #tpu.memory_space<vmem>>
        %dma_start3A_114 = arith.constant 0 : i32
        %dma_start3A_115 = tpu.memref_slice %arg2[%arg0, %add3A_88, %dma_start3A_114] : memref<2x800000x32xf32, #tpu.memory_space<hbm>> -> memref<1x400x32xf32, #tpu.memory_space<hbm>>
        %dma_start3A_116 = tpu.memref_squeeze %dma_start3A_115 : memref<1x400x32xf32, #tpu.memory_space<hbm>> -> memref<400x32xf32, #tpu.memory_space<hbm>>
        tpu.enqueue_dma source(%dma_start3A_116 : memref<400x32xf32, #tpu.memory_space<hbm>>) target(%dma_start3A_113 : memref<400x32xf32, #tpu.memory_space<vmem>>) target_semaphore(%dma_start3A_109 : memref<!tpu.dma_semaphore, #tpu.memory_space<semaphore_mem>>)
      } else {
      }
      %mul3A_50 = arith.constant 400 : i32
      %mul3A_51 = arith.muli %scan3A_44, %mul3A_50 : i32
      %add3A_52 = arith.addi %mul3A_2, %mul3A_51 : i32
      %dma_wait3A = arith.constant 0 : i32
      %dma_wait3A_53 = arith.constant 0 : i32
      %dma_wait3A_54 = tpu.memref_slice %arg6[%rem3A_45, %dma_wait3A_53] : memref<2x400xi32, #tpu.memory_space<vmem>> -> memref<1x400xi32, #tpu.memory_space<vmem>>
      %dma_wait3A_55 = tpu.memref_squeeze %dma_wait3A_54 : memref<1x400xi32, #tpu.memory_space<vmem>> -> memref<400xi32, #tpu.memory_space<vmem>>
      %dma_wait3A_56 = tpu.memref_slice %arg3[%add3A_52] : memref<800000xi32, #tpu.memory_space<hbm>> -> memref<400xi32, #tpu.memory_space<hbm>>
      %dma_wait3A_57 = tpu.memref_slice %arg9[%rem3A_45, %dma_wait3A] : memref<2x2x!tpu.dma_semaphore, #tpu.memory_space<semaphore_mem>> -> memref<1x1x!tpu.dma_semaphore, #tpu.memory_space<semaphore_mem>>
      %dma_wait3A_58 = tpu.memref_squeeze %dma_wait3A_57 : memref<1x1x!tpu.dma_semaphore, #tpu.memory_space<semaphore_mem>> -> memref<!tpu.dma_semaphore, #tpu.memory_space<semaphore_mem>>
      %dma_wait3A_59 = arith.constant 0 : i32
      %dma_wait3A_60 = tpu.memref_slice %arg6[%rem3A_45, %dma_wait3A_59] : memref<2x400xi32, #tpu.memory_space<vmem>> -> memref<1x400xi32, #tpu.memory_space<vmem>>
      %dma_wait3A_61 = tpu.memref_squeeze %dma_wait3A_60 : memref<1x400xi32, #tpu.memory_space<vmem>> -> memref<400xi32, #tpu.memory_space<vmem>>
      %dma_wait3A_62 = tpu.memref_slice %arg3[%add3A_52] : memref<800000xi32, #tpu.memory_space<hbm>> -> memref<400xi32, #tpu.memory_space<hbm>>
      tpu.wait_dma2 semaphore(%dma_wait3A_58 : memref<!tpu.dma_semaphore, #tpu.memory_space<semaphore_mem>>) src(%dma_wait3A_62 : memref<400xi32, #tpu.memory_space<hbm>>) dst(%dma_wait3A_61 : memref<400xi32, #tpu.memory_space<vmem>>)
      %dma_wait3A_63 = arith.constant 1 : i32
      %dma_wait3A_64 = arith.constant 0 : i32
      %dma_wait3A_65 = arith.constant 0 : i32
      %dma_wait3A_66 = tpu.memref_slice %arg7[%rem3A_45, %dma_wait3A_64, %dma_wait3A_65] : memref<2x400x32xf32, #tpu.memory_space<vmem>> -> memref<1x400x32xf32, #tpu.memory_space<vmem>>
      %dma_wait3A_67 = tpu.memref_squeeze %dma_wait3A_66 : memref<1x400x32xf32, #tpu.memory_space<vmem>> -> memref<400x32xf32, #tpu.memory_space<vmem>>
      %dma_wait3A_68 = arith.constant 0 : i32
      %dma_wait3A_69 = tpu.memref_slice %arg2[%arg0, %add3A_52, %dma_wait3A_68] : memref<2x800000x32xf32, #tpu.memory_space<hbm>> -> memref<1x400x32xf32, #tpu.memory_space<hbm>>
      %dma_wait3A_70 = tpu.memref_squeeze %dma_wait3A_69 : memref<1x400x32xf32, #tpu.memory_space<hbm>> -> memref<400x32xf32, #tpu.memory_space<hbm>>
      %dma_wait3A_71 = tpu.memref_slice %arg9[%rem3A_45, %dma_wait3A_63] : memref<2x2x!tpu.dma_semaphore, #tpu.memory_space<semaphore_mem>> -> memref<1x1x!tpu.dma_semaphore, #tpu.memory_space<semaphore_mem>>
      %dma_wait3A_72 = tpu.memref_squeeze %dma_wait3A_71 : memref<1x1x!tpu.dma_semaphore, #tpu.memory_space<semaphore_mem>> -> memref<!tpu.dma_semaphore, #tpu.memory_space<semaphore_mem>>
      %dma_wait3A_73 = arith.constant 0 : i32
      %dma_wait3A_74 = arith.constant 0 : i32
      %dma_wait3A_75 = tpu.memref_slice %arg7[%rem3A_45, %dma_wait3A_73, %dma_wait3A_74] : memref<2x400x32xf32, #tpu.memory_space<vmem>> -> memref<1x400x32xf32, #tpu.memory_space<vmem>>
      %dma_wait3A_76 = tpu.memref_squeeze %dma_wait3A_75 : memref<1x400x32xf32, #tpu.memory_space<vmem>> -> memref<400x32xf32, #tpu.memory_space<vmem>>
      %dma_wait3A_77 = arith.constant 0 : i32
      %dma_wait3A_78 = tpu.memref_slice %arg2[%arg0, %add3A_52, %dma_wait3A_77] : memref<2x800000x32xf32, #tpu.memory_space<hbm>> -> memref<1x400x32xf32, #tpu.memory_space<hbm>>
      %dma_wait3A_79 = tpu.memref_squeeze %dma_wait3A_78 : memref<1x400x32xf32, #tpu.memory_space<hbm>> -> memref<400x32xf32, #tpu.memory_space<hbm>>
      tpu.wait_dma2 semaphore(%dma_wait3A_72 : memref<!tpu.dma_semaphore, #tpu.memory_space<semaphore_mem>>) src(%dma_wait3A_79 : memref<400x32xf32, #tpu.memory_space<hbm>>) dst(%dma_wait3A_76 : memref<400x32xf32, #tpu.memory_space<vmem>>)
      "tpu.region"() ({
        %run_scoped3A = tpu.sem_alloc : memref<!tpu.dma_semaphore, #tpu.memory_space<semaphore_mem>>
        %dma_start3A_80 = arith.constant 0 : i32
        %dma_start3A_81 = arith.constant 0 : i32
        %dma_start3A_82 = tpu.memref_slice %arg7[%rem3A_45, %dma_start3A_80, %dma_start3A_81] : memref<2x400x32xf32, #tpu.memory_space<vmem>> -> memref<1x400x32xf32, #tpu.memory_space<vmem>>
        %dma_start3A_83 = tpu.memref_squeeze %dma_start3A_82 : memref<1x400x32xf32, #tpu.memory_space<vmem>> -> memref<400x32xf32, #tpu.memory_space<vmem>>
        %dma_start3A_84 = arith.constant 0 : i32
        %dma_start3A_85 = tpu.memref_slice %arg6[%rem3A_45, %dma_start3A_84] : memref<2x400xi32, #tpu.memory_space<vmem>> -> memref<1x400xi32, #tpu.memory_space<vmem>>
        %dma_start3A_86 = tpu.memref_squeeze %dma_start3A_85 : memref<1x400xi32, #tpu.memory_space<vmem>> -> memref<400xi32, #tpu.memory_space<vmem>>
        %dma_start3A_87 = arith.constant 0 : i32
        %dma_start3A_88 = arith.constant 0 : i32
        %dma_start3A_89 = tpu.memref_slice %arg8[%dma_start3A_87, %dma_start3A_88] : memref<50000x32xf32, #tpu.memory_space<vmem_shared>> -> memref<50000x32xf32, #tpu.memory_space<vmem_shared>>
        tpu.enqueue_indirect_dma source(%dma_start3A_83 : memref<400x32xf32, #tpu.memory_space<vmem>>) target(%dma_start3A_89 : memref<50000x32xf32, #tpu.memory_space<vmem_shared>>) offsets(%dma_start3A_86 : memref<400xi32, #tpu.memory_space<vmem>>) semaphore(%run_scoped3A : memref<!tpu.dma_semaphore, #tpu.memory_space<semaphore_mem>>) {add = true}
        %dma_wait3A_90 = arith.constant 0 : i32
        %dma_wait3A_91 = arith.constant 0 : i32
        %dma_wait3A_92 = tpu.memref_slice %arg7[%rem3A_45, %dma_wait3A_90, %dma_wait3A_91] : memref<2x400x32xf32, #tpu.memory_space<vmem>> -> memref<1x400x32xf32, #tpu.memory_space<vmem>>
        %dma_wait3A_93 = tpu.memref_squeeze %dma_wait3A_92 : memref<1x400x32xf32, #tpu.memory_space<vmem>> -> memref<400x32xf32, #tpu.memory_space<vmem>>
        %dma_wait3A_94 = arith.constant 0 : i32
        %dma_wait3A_95 = tpu.memref_slice %arg6[%rem3A_45, %dma_wait3A_94] : memref<2x400xi32, #tpu.memory_space<vmem>> -> memref<1x400xi32, #tpu.memory_space<vmem>>
        %dma_wait3A_96 = tpu.memref_squeeze %dma_wait3A_95 : memref<1x400xi32, #tpu.memory_space<vmem>> -> memref<400xi32, #tpu.memory_space<vmem>>
        %dma_wait3A_97 = arith.constant 0 : i32
        %dma_wait3A_98 = arith.constant 0 : i32
        %dma_wait3A_99 = tpu.memref_slice %arg8[%dma_wait3A_97, %dma_wait3A_98] : memref<50000x32xf32, #tpu.memory_space<vmem_shared>> -> memref<50000x32xf32, #tpu.memory_space<vmem_shared>>
        tpu.wait_indirect_dma semaphore(%run_scoped3A : memref<!tpu.dma_semaphore, #tpu.memory_space<semaphore_mem>>) src(%dma_wait3A_93 : memref<400x32xf32, #tpu.memory_space<vmem>>) dst(%dma_wait3A_99 : memref<50000x32xf32, #tpu.memory_space<vmem_shared>>)
        tpu.yield
      }) : () -> ()
    }
    %scan3A_38 = arith.constant 125 : i32
    %barrier3A_39 = arith.constant 0 : index
    tpu.barrier barrier_id(%barrier3A_39)
    %mul3A_40 = arith.constant 3125 : i32
    %mul3A_41 = arith.muli %arg1, %mul3A_40 : i32
    %mul3A_42 = arith.constant 3125 : i32
    %mul3A_43 = arith.muli %arg1, %mul3A_42 : i32
    "tpu.region"() ({
      %run_scoped3A = tpu.sem_alloc : memref<!tpu.dma_semaphore, #tpu.memory_space<semaphore_mem>>
      %dma_start3A_44 = arith.constant 0 : i32
      %dma_start3A_45 = tpu.memref_slice %arg5[%arg0, %mul3A_43, %dma_start3A_44] : memref<2x50000x32xf32, #tpu.memory_space<hbm>> -> memref<1x3125x32xf32, #tpu.memory_space<hbm>>
      %dma_start3A_46 = tpu.memref_squeeze %dma_start3A_45 : memref<1x3125x32xf32, #tpu.memory_space<hbm>> -> memref<3125x32xf32, #tpu.memory_space<hbm>>
      %dma_start3A_47 = arith.constant 0 : i32
      %dma_start3A_48 = tpu.memref_slice %arg8[%mul3A_41, %dma_start3A_47] : memref<50000x32xf32, #tpu.memory_space<vmem_shared>> -> memref<3125x32xf32, #tpu.memory_space<vmem_shared>>
      tpu.enqueue_dma source(%dma_start3A_48 : memref<3125x32xf32, #tpu.memory_space<vmem_shared>>) target(%dma_start3A_46 : memref<3125x32xf32, #tpu.memory_space<hbm>>) target_semaphore(%run_scoped3A : memref<!tpu.dma_semaphore, #tpu.memory_space<semaphore_mem>>)
      %dma_wait3A = arith.constant 0 : i32
      %dma_wait3A_49 = tpu.memref_slice %arg5[%arg0, %mul3A_43, %dma_wait3A] : memref<2x50000x32xf32, #tpu.memory_space<hbm>> -> memref<1x3125x32xf32, #tpu.memory_space<hbm>>
      %dma_wait3A_50 = tpu.memref_squeeze %dma_wait3A_49 : memref<1x3125x32xf32, #tpu.memory_space<hbm>> -> memref<3125x32xf32, #tpu.memory_space<hbm>>
      %dma_wait3A_51 = arith.constant 0 : i32
      %dma_wait3A_52 = tpu.memref_slice %arg8[%mul3A_41, %dma_wait3A_51] : memref<50000x32xf32, #tpu.memory_space<vmem_shared>> -> memref<3125x32xf32, #tpu.memory_space<vmem_shared>>
      tpu.wait_dma2 semaphore(%run_scoped3A : memref<!tpu.dma_semaphore, #tpu.memory_space<semaphore_mem>>) src(%dma_wait3A_52 : memref<3125x32xf32, #tpu.memory_space<vmem_shared>>) dst(%dma_wait3A_50 : memref<3125x32xf32, #tpu.memory_space<hbm>>)
      tpu.yield
    }) : () -> ()
    return
  }
}

#map = affine_map<(d0, d1) -> (0, 0)>
#map1 = affine_map<(d0, d1) -> (0)>
module attributes {stable_mosaic.version = 14 : i64} {
  func.func @_gather_body(%arg0: i32, %arg1: i32, %arg2: memref<50000x16xf32, #tpu.memory_space<hbm>>, %arg3: memref<800000xi32, #tpu.memory_space<hbm>>, %arg4: memref<800000x16xf32, #tpu.memory_space<hbm>>, %arg5: memref<1000xi32, #tpu.memory_space<vmem>>, %arg6: memref<1000x16xf32, #tpu.memory_space<vmem>>, %arg7: memref<!tpu.dma_semaphore, #tpu.memory_space<semaphore_mem>>) attributes {dimension_semantics = [#tpu.dimension_semantics<core_parallel>, #tpu.dimension_semantics<subcore_parallel>], iteration_bounds = array<i64: 2, 16>, scalar_prefetch = 0 : i64, scratch_operands = 3 : i64, tpu.core_type = #tpu.core_type<sc_vector_subcore>, window_params = [{transform_indices = #map}, {transform_indices = #map1}, {transform_indices = #map}]} {
    %mul3A = arith.constant 2 : i32
    %mul3A_0 = arith.muli %arg1, %mul3A : i32
    %add3A = arith.addi %mul3A_0, %arg0 : i32
    %mul3A_1 = arith.constant 25000 : i32
    %mul3A_2 = arith.muli %add3A, %mul3A_1 : i32
    %scan3A = arith.constant 0 : i32
    %scan3A_3 = arith.constant 25 : i32
    %scan3A_4 = arith.addi %scan3A, %scan3A_3 : i32
    %scan3A_5 = arith.constant 1 : i32
    scf.for %scan3A_7 = %scan3A to %scan3A_4 step %scan3A_5  : i32 {
      %mul3A_8 = arith.constant 1000 : i32
      %mul3A_9 = arith.muli %scan3A_7, %mul3A_8 : i32
      %add3A_10 = arith.addi %mul3A_2, %mul3A_9 : i32
      "tpu.region"() ({
        %run_scoped3A = tpu.sem_alloc : memref<!tpu.dma_semaphore, #tpu.memory_space<semaphore_mem>>
        %dma_start3A_15 = tpu.memref_slice %arg3[%add3A_10] : memref<800000xi32, #tpu.memory_space<hbm>> -> memref<1000xi32, #tpu.memory_space<hbm>>
        %dma_start3A_16 = tpu.memref_slice %arg3[%add3A_10] : memref<800000xi32, #tpu.memory_space<hbm>> -> memref<1000xi32, #tpu.memory_space<hbm>>
        tpu.enqueue_dma source(%dma_start3A_16 : memref<1000xi32, #tpu.memory_space<hbm>>) target(%arg5 : memref<1000xi32, #tpu.memory_space<vmem>>) target_semaphore(%run_scoped3A : memref<!tpu.dma_semaphore, #tpu.memory_space<semaphore_mem>>)
        %dma_wait3A_17 = tpu.memref_slice %arg3[%add3A_10] : memref<800000xi32, #tpu.memory_space<hbm>> -> memref<1000xi32, #tpu.memory_space<hbm>>
        %dma_wait3A_18 = tpu.memref_slice %arg3[%add3A_10] : memref<800000xi32, #tpu.memory_space<hbm>> -> memref<1000xi32, #tpu.memory_space<hbm>>
        tpu.wait_dma2 semaphore(%run_scoped3A : memref<!tpu.dma_semaphore, #tpu.memory_space<semaphore_mem>>) src(%dma_wait3A_18 : memref<1000xi32, #tpu.memory_space<hbm>>) dst(%arg5 : memref<1000xi32, #tpu.memory_space<vmem>>)
        tpu.yield
      }) : () -> ()
      %dma_start3A = arith.constant 0 : i32
      %dma_start3A_11 = arith.constant 0 : i32
      %dma_start3A_12 = tpu.memref_slice %arg2[%dma_start3A, %dma_start3A_11] : memref<50000x16xf32, #tpu.memory_space<hbm>> -> memref<50000x16xf32, #tpu.memory_space<hbm>>
      tpu.enqueue_indirect_dma source(%dma_start3A_12 : memref<50000x16xf32, #tpu.memory_space<hbm>>) target(%arg6 : memref<1000x16xf32, #tpu.memory_space<vmem>>) offsets(%arg5 : memref<1000xi32, #tpu.memory_space<vmem>>) semaphore(%arg7 : memref<!tpu.dma_semaphore, #tpu.memory_space<semaphore_mem>>)
      %dma_wait3A = arith.constant 0 : i32
      %dma_wait3A_13 = arith.constant 0 : i32
      %dma_wait3A_14 = tpu.memref_slice %arg2[%dma_wait3A, %dma_wait3A_13] : memref<50000x16xf32, #tpu.memory_space<hbm>> -> memref<50000x16xf32, #tpu.memory_space<hbm>>
      tpu.wait_indirect_dma semaphore(%arg7 : memref<!tpu.dma_semaphore, #tpu.memory_space<semaphore_mem>>) src(%dma_wait3A_14 : memref<50000x16xf32, #tpu.memory_space<hbm>>) dst(%arg6 : memref<1000x16xf32, #tpu.memory_space<vmem>>)
      "tpu.region"() ({
        %run_scoped3A = tpu.sem_alloc : memref<!tpu.dma_semaphore, #tpu.memory_space<semaphore_mem>>
        %dma_start3A_15 = arith.constant 0 : i32
        %dma_start3A_16 = tpu.memref_slice %arg4[%add3A_10, %dma_start3A_15] : memref<800000x16xf32, #tpu.memory_space<hbm>> -> memref<1000x16xf32, #tpu.memory_space<hbm>>
        %dma_start3A_17 = arith.constant 0 : i32
        %dma_start3A_18 = tpu.memref_slice %arg4[%add3A_10, %dma_start3A_17] : memref<800000x16xf32, #tpu.memory_space<hbm>> -> memref<1000x16xf32, #tpu.memory_space<hbm>>
        tpu.enqueue_dma source(%arg6 : memref<1000x16xf32, #tpu.memory_space<vmem>>) target(%dma_start3A_18 : memref<1000x16xf32, #tpu.memory_space<hbm>>) target_semaphore(%run_scoped3A : memref<!tpu.dma_semaphore, #tpu.memory_space<semaphore_mem>>)
        %dma_wait3A_19 = arith.constant 0 : i32
        %dma_wait3A_20 = tpu.memref_slice %arg4[%add3A_10, %dma_wait3A_19] : memref<800000x16xf32, #tpu.memory_space<hbm>> -> memref<1000x16xf32, #tpu.memory_space<hbm>>
        %dma_wait3A_21 = arith.constant 0 : i32
        %dma_wait3A_22 = tpu.memref_slice %arg4[%add3A_10, %dma_wait3A_21] : memref<800000x16xf32, #tpu.memory_space<hbm>> -> memref<1000x16xf32, #tpu.memory_space<hbm>>
        tpu.wait_dma2 semaphore(%run_scoped3A : memref<!tpu.dma_semaphore, #tpu.memory_space<semaphore_mem>>) src(%arg6 : memref<1000x16xf32, #tpu.memory_space<vmem>>) dst(%dma_wait3A_22 : memref<1000x16xf32, #tpu.memory_space<hbm>>)
        tpu.yield
      }) : () -> ()
    }
    %scan3A_6 = arith.constant 25 : i32
    return
  }
}

module attributes {stable_mosaic.version = 14 : i64} {
  func.func @_tp_body(%arg0: i32, %arg1: memref<48x800000xf32, #tpu.memory_space<any>>, %arg2: memref<9x800000xf32, #tpu.memory_space<any>>, %arg3: memref<800x16xf32, #tpu.memory_space<vmem>>, %arg4: memref<800x16xf32, #tpu.memory_space<vmem>>, %arg5: memref<800x16xf32, #tpu.memory_space<vmem>>, %arg6: memref<800x16xf32, #tpu.memory_space<vmem>>, %arg7: memref<48x48xf32, #tpu.memory_space<vmem>>, %arg8: memref<1x48xf32, #tpu.memory_space<vmem>>, %arg9: memref<48x384xf32, #tpu.memory_space<vmem>>, %arg10: memref<1x384xf32, #tpu.memory_space<vmem>>, %arg11: memref<16x384xf32, #tpu.memory_space<vmem>>, %arg12: memref<384x24xf32, #tpu.memory_space<vmem>>, %arg13: memref<2x24x32xf32, #tpu.memory_space<vmem>>, %arg14: memref<2x9x32xf32, #tpu.memory_space<vmem>>, %arg15: memref<1x32xf32, #tpu.memory_space<vmem>>, %arg16: memref<2x800x128xf32, #tpu.memory_space<vmem>>, %arg17: memref<2x48x3200xf32, #tpu.memory_space<vmem>>, %arg18: memref<2x9x3200xf32, #tpu.memory_space<vmem>>, %arg19: memref<2x2x!tpu.dma_semaphore, #tpu.memory_space<semaphore_mem>>) attributes {dimension_semantics = [#tpu.dimension_semantics<arbitrary>], iteration_bounds = array<i64: 250>, scalar_prefetch = 0 : i64, scratch_operands = 3 : i64, tpu.core_type = #tpu.core_type<tc>, window_params = [{}, {}, {transform_indices = @transform_2, window_bounds = array<i64: 800, 16>}, {transform_indices = @transform_3, window_bounds = array<i64: 800, 16>}, {transform_indices = @transform_4, window_bounds = array<i64: 800, 16>}, {transform_indices = @transform_5, window_bounds = array<i64: 800, 16>}, {pipeline_mode = #tpu.pipeline_mode<synchronous>, transform_indices = @transform_6, window_bounds = array<i64: 48, 48>}, {pipeline_mode = #tpu.pipeline_mode<synchronous>, transform_indices = @transform_7, window_bounds = array<i64: 1, 48>}, {pipeline_mode = #tpu.pipeline_mode<synchronous>, transform_indices = @transform_8, window_bounds = array<i64: 48, 384>}, {pipeline_mode = #tpu.pipeline_mode<synchronous>, transform_indices = @transform_9, window_bounds = array<i64: 1, 384>}, {pipeline_mode = #tpu.pipeline_mode<synchronous>, transform_indices = @transform_10, window_bounds = array<i64: 16, 384>}, {pipeline_mode = #tpu.pipeline_mode<synchronous>, transform_indices = @transform_11, window_bounds = array<i64: 384, 24>}, {pipeline_mode = #tpu.pipeline_mode<synchronous>, transform_indices = @transform_12, window_bounds = array<i64: 2, 24, 32>}, {pipeline_mode = #tpu.pipeline_mode<synchronous>, transform_indices = @transform_13, window_bounds = array<i64: 2, 9, 32>}, {pipeline_mode = #tpu.pipeline_mode<synchronous>, transform_indices = @transform_14, window_bounds = array<i64: 1, 32>}, {transform_indices = @transform_15, window_bounds = array<i64: 2, 800, 128>}]} {
    %rem3A = arith.constant 2 : i32
    %rem3A_0 = arith.remsi %arg0, %rem3A : i32
    %eq3A = arith.constant 0 : i32
    %eq3A_1 = arith.cmpi eq, %arg0, %eq3A : i32
    %convert_element_type3A = arith.extui %eq3A_1 : i1 to i32
    %cond3A = arith.constant 0 : i32
    %cond3A_2 = arith.cmpi ne, %convert_element_type3A, %cond3A : i32
    scf.if %cond3A_2 {
      %dma_start3A = arith.constant 0 : i32
      %dma_start3A_138 = arith.constant 0 : i32
      %dma_start3A_139 = arith.constant 0 : i32
      %dma_start3A_140 = tpu.memref_slice %arg19[%dma_start3A_138, %dma_start3A_139] : memref<2x2x!tpu.dma_semaphore, #tpu.memory_space<semaphore_mem>> -> memref<1x1x!tpu.dma_semaphore, #tpu.memory_space<semaphore_mem>>
      %dma_start3A_141 = tpu.memref_squeeze %dma_start3A_140 : memref<1x1x!tpu.dma_semaphore, #tpu.memory_space<semaphore_mem>> -> memref<!tpu.dma_semaphore, #tpu.memory_space<semaphore_mem>>
      %dma_start3A_142 = arith.constant 0 : i32
      %dma_start3A_143 = arith.constant 0 : i32
      %dma_start3A_144 = tpu.memref_slice %arg17[%dma_start3A, %dma_start3A_142, %dma_start3A_143] : memref<2x48x3200xf32, #tpu.memory_space<vmem>> -> memref<1x48x3200xf32, #tpu.memory_space<vmem>>
      %dma_start3A_145 = tpu.memref_squeeze %dma_start3A_144 : memref<1x48x3200xf32, #tpu.memory_space<vmem>> -> memref<48x3200xf32, #tpu.memory_space<vmem>>
      %dma_start3A_146 = arith.constant 0 : i32
      %dma_start3A_147 = arith.constant 0 : i32
      %dma_start3A_148 = tpu.memref_slice %arg1[%dma_start3A_146, %dma_start3A_147] : memref<48x800000xf32, #tpu.memory_space<any>> -> memref<48x3200xf32, #tpu.memory_space<any>>
      tpu.enqueue_dma source(%dma_start3A_148 : memref<48x3200xf32, #tpu.memory_space<any>>) target(%dma_start3A_145 : memref<48x3200xf32, #tpu.memory_space<vmem>>) target_semaphore(%dma_start3A_141 : memref<!tpu.dma_semaphore, #tpu.memory_space<semaphore_mem>>)
      %dma_start3A_149 = arith.constant 0 : i32
      %dma_start3A_150 = arith.constant 0 : i32
      %dma_start3A_151 = arith.constant 1 : i32
      %dma_start3A_152 = tpu.memref_slice %arg19[%dma_start3A_150, %dma_start3A_151] : memref<2x2x!tpu.dma_semaphore, #tpu.memory_space<semaphore_mem>> -> memref<1x1x!tpu.dma_semaphore, #tpu.memory_space<semaphore_mem>>
      %dma_start3A_153 = tpu.memref_squeeze %dma_start3A_152 : memref<1x1x!tpu.dma_semaphore, #tpu.memory_space<semaphore_mem>> -> memref<!tpu.dma_semaphore, #tpu.memory_space<semaphore_mem>>
      %dma_start3A_154 = arith.constant 0 : i32
      %dma_start3A_155 = arith.constant 0 : i32
      %dma_start3A_156 = tpu.memref_slice %arg18[%dma_start3A_149, %dma_start3A_154, %dma_start3A_155] : memref<2x9x3200xf32, #tpu.memory_space<vmem>> -> memref<1x9x3200xf32, #tpu.memory_space<vmem>>
      %dma_start3A_157 = tpu.memref_squeeze %dma_start3A_156 : memref<1x9x3200xf32, #tpu.memory_space<vmem>> -> memref<9x3200xf32, #tpu.memory_space<vmem>>
      %dma_start3A_158 = arith.constant 0 : i32
      %dma_start3A_159 = arith.constant 0 : i32
      %dma_start3A_160 = tpu.memref_slice %arg2[%dma_start3A_158, %dma_start3A_159] : memref<9x800000xf32, #tpu.memory_space<any>> -> memref<9x3200xf32, #tpu.memory_space<any>>
      tpu.enqueue_dma source(%dma_start3A_160 : memref<9x3200xf32, #tpu.memory_space<any>>) target(%dma_start3A_157 : memref<9x3200xf32, #tpu.memory_space<vmem>>) target_semaphore(%dma_start3A_153 : memref<!tpu.dma_semaphore, #tpu.memory_space<semaphore_mem>>)
    } else {
    }
    %add3A = arith.constant 1 : i32
    %add3A_3 = arith.addi %arg0, %add3A : i32
    %lt3A = arith.constant 250 : i32
    %lt3A_4 = arith.cmpi slt, %add3A_3, %lt3A : i32
    %convert_element_type3A_5 = arith.extui %lt3A_4 : i1 to i32
    %cond3A_6 = arith.constant 0 : i32
    %cond3A_7 = arith.cmpi ne, %convert_element_type3A_5, %cond3A_6 : i32
    scf.if %cond3A_7 {
      %add3A_138 = arith.constant 1 : i32
      %add3A_139 = arith.addi %arg0, %add3A_138 : i32
      %add3A_140 = arith.constant 1 : i32
      %add3A_141 = arith.addi %arg0, %add3A_140 : i32
      %rem3A_142 = arith.constant 2 : i32
      %rem3A_143 = arith.remsi %add3A_141, %rem3A_142 : i32
      %mul3A_144 = arith.constant 3200 : i32
      %mul3A_145 = arith.muli %add3A_139, %mul3A_144 : i32
      %dma_start3A = arith.constant 0 : i32
      %dma_start3A_146 = tpu.memref_slice %arg19[%rem3A_143, %dma_start3A] : memref<2x2x!tpu.dma_semaphore, #tpu.memory_space<semaphore_mem>> -> memref<1x1x!tpu.dma_semaphore, #tpu.memory_space<semaphore_mem>>
      %dma_start3A_147 = tpu.memref_squeeze %dma_start3A_146 : memref<1x1x!tpu.dma_semaphore, #tpu.memory_space<semaphore_mem>> -> memref<!tpu.dma_semaphore, #tpu.memory_space<semaphore_mem>>
      %dma_start3A_148 = arith.constant 0 : i32
      %dma_start3A_149 = arith.constant 0 : i32
      %dma_start3A_150 = tpu.memref_slice %arg17[%rem3A_143, %dma_start3A_148, %dma_start3A_149] : memref<2x48x3200xf32, #tpu.memory_space<vmem>> -> memref<1x48x3200xf32, #tpu.memory_space<vmem>>
      %dma_start3A_151 = tpu.memref_squeeze %dma_start3A_150 : memref<1x48x3200xf32, #tpu.memory_space<vmem>> -> memref<48x3200xf32, #tpu.memory_space<vmem>>
      %dma_start3A_152 = arith.constant 0 : i32
      %dma_start3A_153 = tpu.memref_slice %arg1[%dma_start3A_152, %mul3A_145] : memref<48x800000xf32, #tpu.memory_space<any>> -> memref<48x3200xf32, #tpu.memory_space<any>>
      tpu.enqueue_dma source(%dma_start3A_153 : memref<48x3200xf32, #tpu.memory_space<any>>) target(%dma_start3A_151 : memref<48x3200xf32, #tpu.memory_space<vmem>>) target_semaphore(%dma_start3A_147 : memref<!tpu.dma_semaphore, #tpu.memory_space<semaphore_mem>>)
      %mul3A_154 = arith.constant 3200 : i32
      %mul3A_155 = arith.muli %add3A_139, %mul3A_154 : i32
      %dma_start3A_156 = arith.constant 1 : i32
      %dma_start3A_157 = tpu.memref_slice %arg19[%rem3A_143, %dma_start3A_156] : memref<2x2x!tpu.dma_semaphore, #tpu.memory_space<semaphore_mem>> -> memref<1x1x!tpu.dma_semaphore, #tpu.memory_space<semaphore_mem>>
      %dma_start3A_158 = tpu.memref_squeeze %dma_start3A_157 : memref<1x1x!tpu.dma_semaphore, #tpu.memory_space<semaphore_mem>> -> memref<!tpu.dma_semaphore, #tpu.memory_space<semaphore_mem>>
      %dma_start3A_159 = arith.constant 0 : i32
      %dma_start3A_160 = arith.constant 0 : i32
      %dma_start3A_161 = tpu.memref_slice %arg18[%rem3A_143, %dma_start3A_159, %dma_start3A_160] : memref<2x9x3200xf32, #tpu.memory_space<vmem>> -> memref<1x9x3200xf32, #tpu.memory_space<vmem>>
      %dma_start3A_162 = tpu.memref_squeeze %dma_start3A_161 : memref<1x9x3200xf32, #tpu.memory_space<vmem>> -> memref<9x3200xf32, #tpu.memory_space<vmem>>
      %dma_start3A_163 = arith.constant 0 : i32
      %dma_start3A_164 = tpu.memref_slice %arg2[%dma_start3A_163, %mul3A_155] : memref<9x800000xf32, #tpu.memory_space<any>> -> memref<9x3200xf32, #tpu.memory_space<any>>
      tpu.enqueue_dma source(%dma_start3A_164 : memref<9x3200xf32, #tpu.memory_space<any>>) target(%dma_start3A_162 : memref<9x3200xf32, #tpu.memory_space<vmem>>) target_semaphore(%dma_start3A_158 : memref<!tpu.dma_semaphore, #tpu.memory_space<semaphore_mem>>)
    } else {
    }
    %mul3A = arith.constant 3200 : i32
    %mul3A_8 = arith.muli %arg0, %mul3A : i32
    %dma_wait3A = arith.constant 0 : i32
    %dma_wait3A_9 = tpu.memref_slice %arg19[%rem3A_0, %dma_wait3A] : memref<2x2x!tpu.dma_semaphore, #tpu.memory_space<semaphore_mem>> -> memref<1x1x!tpu.dma_semaphore, #tpu.memory_space<semaphore_mem>>
    %dma_wait3A_10 = tpu.memref_squeeze %dma_wait3A_9 : memref<1x1x!tpu.dma_semaphore, #tpu.memory_space<semaphore_mem>> -> memref<!tpu.dma_semaphore, #tpu.memory_space<semaphore_mem>>
    %dma_wait3A_11 = arith.constant 0 : i32
    %dma_wait3A_12 = arith.constant 0 : i32
    %dma_wait3A_13 = tpu.memref_slice %arg17[%rem3A_0, %dma_wait3A_11, %dma_wait3A_12] : memref<2x48x3200xf32, #tpu.memory_space<vmem>> -> memref<1x48x3200xf32, #tpu.memory_space<vmem>>
    %dma_wait3A_14 = tpu.memref_squeeze %dma_wait3A_13 : memref<1x48x3200xf32, #tpu.memory_space<vmem>> -> memref<48x3200xf32, #tpu.memory_space<vmem>>
    %dma_wait3A_15 = arith.constant 0 : i32
    %dma_wait3A_16 = tpu.memref_slice %arg1[%dma_wait3A_15, %mul3A_8] : memref<48x800000xf32, #tpu.memory_space<any>> -> memref<48x3200xf32, #tpu.memory_space<any>>
    tpu.wait_dma2 semaphore(%dma_wait3A_10 : memref<!tpu.dma_semaphore, #tpu.memory_space<semaphore_mem>>) src(%dma_wait3A_16 : memref<48x3200xf32, #tpu.memory_space<any>>) dst(%dma_wait3A_14 : memref<48x3200xf32, #tpu.memory_space<vmem>>)
    %mul3A_17 = arith.constant 3200 : i32
    %mul3A_18 = arith.muli %arg0, %mul3A_17 : i32
    %dma_wait3A_19 = arith.constant 1 : i32
    %dma_wait3A_20 = tpu.memref_slice %arg19[%rem3A_0, %dma_wait3A_19] : memref<2x2x!tpu.dma_semaphore, #tpu.memory_space<semaphore_mem>> -> memref<1x1x!tpu.dma_semaphore, #tpu.memory_space<semaphore_mem>>
    %dma_wait3A_21 = tpu.memref_squeeze %dma_wait3A_20 : memref<1x1x!tpu.dma_semaphore, #tpu.memory_space<semaphore_mem>> -> memref<!tpu.dma_semaphore, #tpu.memory_space<semaphore_mem>>
    %dma_wait3A_22 = arith.constant 0 : i32
    %dma_wait3A_23 = arith.constant 0 : i32
    %dma_wait3A_24 = tpu.memref_slice %arg18[%rem3A_0, %dma_wait3A_22, %dma_wait3A_23] : memref<2x9x3200xf32, #tpu.memory_space<vmem>> -> memref<1x9x3200xf32, #tpu.memory_space<vmem>>
    %dma_wait3A_25 = tpu.memref_squeeze %dma_wait3A_24 : memref<1x9x3200xf32, #tpu.memory_space<vmem>> -> memref<9x3200xf32, #tpu.memory_space<vmem>>
    %dma_wait3A_26 = arith.constant 0 : i32
    %dma_wait3A_27 = tpu.memref_slice %arg2[%dma_wait3A_26, %mul3A_18] : memref<9x800000xf32, #tpu.memory_space<any>> -> memref<9x3200xf32, #tpu.memory_space<any>>
    tpu.wait_dma2 semaphore(%dma_wait3A_21 : memref<!tpu.dma_semaphore, #tpu.memory_space<semaphore_mem>>) src(%dma_wait3A_27 : memref<9x3200xf32, #tpu.memory_space<any>>) dst(%dma_wait3A_25 : memref<9x3200xf32, #tpu.memory_space<vmem>>)
    %get3A = arith.index_cast %rem3A_0 : i32 to index
    %get3A_28 = arith.constant 0 : index
    %get3A_29 = arith.constant 0 : index
    %get3A_30 = vector.load %arg17[%get3A, %get3A_28, %get3A_29] : memref<2x48x3200xf32, #tpu.memory_space<vmem>>, vector<1x48x3200xf32>
    %get3A_31 = vector.shape_cast %get3A_30 : vector<1x48x3200xf32> to vector<48x3200xf32>
    %get3A_32 = arith.constant 0 : index
    %get3A_33 = arith.constant 0 : index
    %get3A_34 = vector.load %arg3[%get3A_32, %get3A_33] : memref<800x16xf32, #tpu.memory_space<vmem>>, vector<800x16xf32>
    %get3A_35 = arith.constant 0 : index
    %get3A_36 = arith.constant 0 : index
    %get3A_37 = vector.load %arg4[%get3A_35, %get3A_36] : memref<800x16xf32, #tpu.memory_space<vmem>>, vector<800x16xf32>
    %get3A_38 = arith.constant 0 : index
    %get3A_39 = arith.constant 0 : index
    %get3A_40 = vector.load %arg5[%get3A_38, %get3A_39] : memref<800x16xf32, #tpu.memory_space<vmem>>, vector<800x16xf32>
    %get3A_41 = arith.constant 0 : index
    %get3A_42 = arith.constant 0 : index
    %get3A_43 = vector.load %arg6[%get3A_41, %get3A_42] : memref<800x16xf32, #tpu.memory_space<vmem>>, vector<800x16xf32>
    %concatenate3A = tpu.concatenate %get3A_34, %get3A_37, %get3A_40, %get3A_43 in 0 : vector<800x16xf32>, vector<800x16xf32>, vector<800x16xf32>, vector<800x16xf32> -> vector<3200x16xf32>
    %get3A_44 = arith.index_cast %rem3A_0 : i32 to index
    %get3A_45 = arith.constant 0 : index
    %get3A_46 = arith.constant 0 : index
    %get3A_47 = vector.load %arg18[%get3A_44, %get3A_45, %get3A_46] : memref<2x9x3200xf32, #tpu.memory_space<vmem>>, vector<1x9x3200xf32>
    %get3A_48 = vector.shape_cast %get3A_47 : vector<1x9x3200xf32> to vector<9x3200xf32>
    %get3A_49 = arith.constant 0 : index
    %get3A_50 = arith.constant 0 : index
    %get3A_51 = vector.load %arg15[%get3A_49, %get3A_50] : memref<1x32xf32, #tpu.memory_space<vmem>>, vector<1x32xf32>
    %get3A_52 = arith.constant 0 : index
    %get3A_53 = arith.constant 0 : index
    %get3A_54 = vector.load %arg7[%get3A_52, %get3A_53] : memref<48x48xf32, #tpu.memory_space<vmem>>, vector<48x48xf32>
    %dot_general3A = arith.constant dense<0.000000e+00> : vector<3200x48xf32>
    %dot_general3A_55 = tpu.matmul %get3A_31, %get3A_54, %dot_general3A {dimension_numbers = #tpu.dot_dimension_numbers<[0], [0], [1], [1], [0, 1, 1, 1], [], []>, transpose_lhs_hint = false} : vector<48x3200xf32>, vector<48x48xf32>, vector<3200x48xf32> -> vector<3200x48xf32>
    %get3A_56 = arith.constant 0 : index
    %get3A_57 = arith.constant 0 : index
    %get3A_58 = vector.load %arg8[%get3A_56, %get3A_57] : memref<1x48xf32, #tpu.memory_space<vmem>>, vector<1x48xf32>
    %add3A_59 = vector.broadcast %get3A_58 : vector<1x48xf32> to vector<3200x48xf32>
    %add3A_60 = arith.addf %dot_general3A_55, %add3A_59 : vector<3200x48xf32>
    %max3A = arith.constant 0.000000e+00 : f32
    %max3A_61 = vector.broadcast %max3A : f32 to vector<3200x48xf32>
    %max3A_62 = arith.maximumf %add3A_60, %max3A_61 : vector<3200x48xf32>
    %get3A_63 = arith.constant 0 : index
    %get3A_64 = arith.constant 0 : index
    %get3A_65 = vector.load %arg9[%get3A_63, %get3A_64] : memref<48x384xf32, #tpu.memory_space<vmem>>, vector<48x384xf32>
    %dot_general3A_66 = arith.constant dense<0.000000e+00> : vector<3200x384xf32>
    %dot_general3A_67 = tpu.matmul %max3A_62, %get3A_65, %dot_general3A_66 {dimension_numbers = #tpu.dot_dimension_numbers<[1], [0], [0], [1], [0, 0, 1, 1], [], []>, transpose_lhs_hint = false} : vector<3200x48xf32>, vector<48x384xf32>, vector<3200x384xf32> -> vector<3200x384xf32>
    %get3A_68 = arith.constant 0 : index
    %get3A_69 = arith.constant 0 : index
    %get3A_70 = vector.load %arg10[%get3A_68, %get3A_69] : memref<1x384xf32, #tpu.memory_space<vmem>>, vector<1x384xf32>
    %add3A_71 = vector.broadcast %get3A_70 : vector<1x384xf32> to vector<3200x384xf32>
    %add3A_72 = arith.addf %dot_general3A_67, %add3A_71 : vector<3200x384xf32>
    %get3A_73 = arith.constant 0 : index
    %get3A_74 = arith.constant 0 : index
    %get3A_75 = vector.load %arg11[%get3A_73, %get3A_74] : memref<16x384xf32, #tpu.memory_space<vmem>>, vector<16x384xf32>
    %dot_general3A_76 = arith.constant dense<0.000000e+00> : vector<3200x384xf32>
    %dot_general3A_77 = tpu.matmul %concatenate3A, %get3A_75, %dot_general3A_76 {dimension_numbers = #tpu.dot_dimension_numbers<[1], [0], [0], [1], [0, 0, 1, 1], [], []>, transpose_lhs_hint = false} : vector<3200x16xf32>, vector<16x384xf32>, vector<3200x384xf32> -> vector<3200x384xf32>
    %mul3A_78 = arith.mulf %add3A_72, %dot_general3A_77 : vector<3200x384xf32>
    %get3A_79 = arith.constant 0 : index
    %get3A_80 = arith.constant 0 : index
    %get3A_81 = vector.load %arg12[%get3A_79, %get3A_80] : memref<384x24xf32, #tpu.memory_space<vmem>>, vector<384x24xf32>
    %dot_general3A_82 = arith.constant dense<0.000000e+00> : vector<3200x24xf32>
    %dot_general3A_83 = tpu.matmul %mul3A_78, %get3A_81, %dot_general3A_82 {dimension_numbers = #tpu.dot_dimension_numbers<[1], [0], [0], [1], [0, 0, 1, 1], [], []>, transpose_lhs_hint = false} : vector<3200x384xf32>, vector<384x24xf32>, vector<3200x24xf32> -> vector<3200x24xf32>
    %get3A_84 = arith.constant 0 : index
    %get3A_85 = arith.constant 0 : index
    %get3A_86 = arith.constant 0 : index
    %get3A_87 = vector.load %arg13[%get3A_84, %get3A_85, %get3A_86] : memref<2x24x32xf32, #tpu.memory_space<vmem>>, vector<1x24x32xf32>
    %get3A_88 = vector.shape_cast %get3A_87 : vector<1x24x32xf32> to vector<24x32xf32>
    %dot_general3A_89 = arith.constant dense<0.000000e+00> : vector<3200x32xf32>
    %dot_general3A_90 = tpu.matmul %dot_general3A_83, %get3A_88, %dot_general3A_89 {dimension_numbers = #tpu.dot_dimension_numbers<[1], [0], [0], [1], [0, 0, 1, 1], [], []>, transpose_lhs_hint = false} : vector<3200x24xf32>, vector<24x32xf32>, vector<3200x32xf32> -> vector<3200x32xf32>
    %get3A_91 = arith.constant 0 : index
    %get3A_92 = arith.constant 0 : index
    %get3A_93 = arith.constant 0 : index
    %get3A_94 = vector.load %arg14[%get3A_91, %get3A_92, %get3A_93] : memref<2x9x32xf32, #tpu.memory_space<vmem>>, vector<1x9x32xf32>
    %get3A_95 = vector.shape_cast %get3A_94 : vector<1x9x32xf32> to vector<9x32xf32>
    %dot_general3A_96 = arith.constant dense<0.000000e+00> : vector<3200x32xf32>
    %dot_general3A_97 = tpu.matmul %get3A_48, %get3A_95, %dot_general3A_96 {dimension_numbers = #tpu.dot_dimension_numbers<[0], [0], [1], [1], [0, 1, 1, 1], [], []>, transpose_lhs_hint = false} : vector<9x3200xf32>, vector<9x32xf32>, vector<3200x32xf32> -> vector<3200x32xf32>
    %mul3A_98 = arith.mulf %dot_general3A_90, %dot_general3A_97 : vector<3200x32xf32>
    %add3A_99 = vector.broadcast %get3A_51 : vector<1x32xf32> to vector<3200x32xf32>
    %add3A_100 = arith.addf %mul3A_98, %add3A_99 : vector<3200x32xf32>
    %get3A_101 = arith.constant 1 : index
    %get3A_102 = arith.constant 0 : index
    %get3A_103 = arith.constant 0 : index
    %get3A_104 = vector.load %arg13[%get3A_101, %get3A_102, %get3A_103] : memref<2x24x32xf32, #tpu.memory_space<vmem>>, vector<1x24x32xf32>
    %get3A_105 = vector.shape_cast %get3A_104 : vector<1x24x32xf32> to vector<24x32xf32>
    %dot_general3A_106 = arith.constant dense<0.000000e+00> : vector<3200x32xf32>
    %dot_general3A_107 = tpu.matmul %dot_general3A_83, %get3A_105, %dot_general3A_106 {dimension_numbers = #tpu.dot_dimension_numbers<[1], [0], [0], [1], [0, 0, 1, 1], [], []>, transpose_lhs_hint = false} : vector<3200x24xf32>, vector<24x32xf32>, vector<3200x32xf32> -> vector<3200x32xf32>
    %get3A_108 = arith.constant 1 : index
    %get3A_109 = arith.constant 0 : index
    %get3A_110 = arith.constant 0 : index
    %get3A_111 = vector.load %arg14[%get3A_108, %get3A_109, %get3A_110] : memref<2x9x32xf32, #tpu.memory_space<vmem>>, vector<1x9x32xf32>
    %get3A_112 = vector.shape_cast %get3A_111 : vector<1x9x32xf32> to vector<9x32xf32>
    %dot_general3A_113 = arith.constant dense<0.000000e+00> : vector<3200x32xf32>
    %dot_general3A_114 = tpu.matmul %get3A_48, %get3A_112, %dot_general3A_113 {dimension_numbers = #tpu.dot_dimension_numbers<[0], [0], [1], [1], [0, 1, 1, 1], [], []>, transpose_lhs_hint = false} : vector<9x3200xf32>, vector<9x32xf32>, vector<3200x32xf32> -> vector<3200x32xf32>
    %mul3A_115 = arith.mulf %dot_general3A_107, %dot_general3A_114 : vector<3200x32xf32>
    %add3A_116 = vector.broadcast %get3A_51 : vector<1x32xf32> to vector<3200x32xf32>
    %add3A_117 = arith.addf %mul3A_115, %add3A_116 : vector<3200x32xf32>
    %slice3A = vector.extract_strided_slice %add3A_100 {offsets = [0, 0], sizes = [800, 32], strides = [1, 1]} : vector<3200x32xf32> to vector<800x32xf32>
    %slice3A_118 = vector.extract_strided_slice %add3A_100 {offsets = [800, 0], sizes = [800, 32], strides = [1, 1]} : vector<3200x32xf32> to vector<800x32xf32>
    %slice3A_119 = vector.extract_strided_slice %add3A_100 {offsets = [1600, 0], sizes = [800, 32], strides = [1, 1]} : vector<3200x32xf32> to vector<800x32xf32>
    %slice3A_120 = vector.extract_strided_slice %add3A_100 {offsets = [2400, 0], sizes = [800, 32], strides = [1, 1]} : vector<3200x32xf32> to vector<800x32xf32>
    %concatenate3A_121 = tpu.concatenate %slice3A, %slice3A_118, %slice3A_119, %slice3A_120 in 1 : vector<800x32xf32>, vector<800x32xf32>, vector<800x32xf32>, vector<800x32xf32> -> vector<800x128xf32>
    %swap3A = arith.constant 0 : index
    %swap3A_122 = arith.constant 0 : index
    %swap3A_123 = arith.constant 0 : index
    %swap3A_124 = vector.load %arg16[%swap3A, %swap3A_122, %swap3A_123] : memref<2x800x128xf32, #tpu.memory_space<vmem>>, vector<1x800x128xf32>
    %swap3A_125 = vector.shape_cast %swap3A_124 : vector<1x800x128xf32> to vector<800x128xf32>
    %swap3A_126 = vector.shape_cast %concatenate3A_121 : vector<800x128xf32> to vector<1x800x128xf32>
    tpu.vector_store %arg16[%swap3A, %swap3A_122, %swap3A_123], %swap3A_126 {strides = array<i32>} : memref<2x800x128xf32, #tpu.memory_space<vmem>>, vector<1x800x128xf32>,
    %slice3A_127 = vector.extract_strided_slice %add3A_117 {offsets = [0, 0], sizes = [800, 32], strides = [1, 1]} : vector<3200x32xf32> to vector<800x32xf32>
    %slice3A_128 = vector.extract_strided_slice %add3A_117 {offsets = [800, 0], sizes = [800, 32], strides = [1, 1]} : vector<3200x32xf32> to vector<800x32xf32>
    %slice3A_129 = vector.extract_strided_slice %add3A_117 {offsets = [1600, 0], sizes = [800, 32], strides = [1, 1]} : vector<3200x32xf32> to vector<800x32xf32>
    %slice3A_130 = vector.extract_strided_slice %add3A_117 {offsets = [2400, 0], sizes = [800, 32], strides = [1, 1]} : vector<3200x32xf32> to vector<800x32xf32>
    %concatenate3A_131 = tpu.concatenate %slice3A_127, %slice3A_128, %slice3A_129, %slice3A_130 in 1 : vector<800x32xf32>, vector<800x32xf32>, vector<800x32xf32>, vector<800x32xf32> -> vector<800x128xf32>
    %swap3A_132 = arith.constant 1 : index
    %swap3A_133 = arith.constant 0 : index
    %swap3A_134 = arith.constant 0 : index
    %swap3A_135 = vector.load %arg16[%swap3A_132, %swap3A_133, %swap3A_134] : memref<2x800x128xf32, #tpu.memory_space<vmem>>, vector<1x800x128xf32>
    %swap3A_136 = vector.shape_cast %swap3A_135 : vector<1x800x128xf32> to vector<800x128xf32>
    %swap3A_137 = vector.shape_cast %concatenate3A_131 : vector<800x128xf32> to vector<1x800x128xf32>
    tpu.vector_store %arg16[%swap3A_132, %swap3A_133, %swap3A_134], %swap3A_137 {strides = array<i32>} : memref<2x800x128xf32, #tpu.memory_space<vmem>>, vector<1x800x128xf32>,
    return
  }
  func.func @transform_2(%arg0: i32) -> (i32, i32) {
    %mul3A = arith.constant 4 : i32
    %mul3A_0 = arith.muli %mul3A, %arg0 : i32
    %add3A = arith.constant 0 : i32
    %add3A_1 = arith.addi %mul3A_0, %add3A : i32
    %c0_i32 = arith.constant 0 : i32
    %c0_i32_2 = arith.constant 0 : i32
    return %add3A_1, %c0_i32 : i32, i32
  }
  func.func @transform_3(%arg0: i32) -> (i32, i32) {
    %mul3A = arith.constant 4 : i32
    %mul3A_0 = arith.muli %mul3A, %arg0 : i32
    %add3A = arith.constant 1 : i32
    %add3A_1 = arith.addi %mul3A_0, %add3A : i32
    %c0_i32 = arith.constant 0 : i32
    %c0_i32_2 = arith.constant 0 : i32
    return %add3A_1, %c0_i32 : i32, i32
  }
  func.func @transform_4(%arg0: i32) -> (i32, i32) {
    %mul3A = arith.constant 4 : i32
    %mul3A_0 = arith.muli %mul3A, %arg0 : i32
    %add3A = arith.constant 2 : i32
    %add3A_1 = arith.addi %mul3A_0, %add3A : i32
    %c0_i32 = arith.constant 0 : i32
    %c0_i32_2 = arith.constant 0 : i32
    return %add3A_1, %c0_i32 : i32, i32
  }
  func.func @transform_5(%arg0: i32) -> (i32, i32) {
    %mul3A = arith.constant 4 : i32
    %mul3A_0 = arith.muli %mul3A, %arg0 : i32
    %add3A = arith.constant 3 : i32
    %add3A_1 = arith.addi %mul3A_0, %add3A : i32
    %c0_i32 = arith.constant 0 : i32
    %c0_i32_2 = arith.constant 0 : i32
    return %add3A_1, %c0_i32 : i32, i32
  }
  func.func @transform_6(%arg0: i32) -> (i32, i32) {
    %c0_i32 = arith.constant 0 : i32
    %c0_i32_0 = arith.constant 0 : i32
    %c0_i32_1 = arith.constant 0 : i32
    return %c0_i32, %c0_i32_0 : i32, i32
  }
  func.func @transform_7(%arg0: i32) -> (i32, i32) {
    %c0_i32 = arith.constant 0 : i32
    %c0_i32_0 = arith.constant 0 : i32
    %c0_i32_1 = arith.constant 0 : i32
    return %c0_i32, %c0_i32_0 : i32, i32
  }
  func.func @transform_8(%arg0: i32) -> (i32, i32) {
    %c0_i32 = arith.constant 0 : i32
    %c0_i32_0 = arith.constant 0 : i32
    %c0_i32_1 = arith.constant 0 : i32
    return %c0_i32, %c0_i32_0 : i32, i32
  }
  func.func @transform_9(%arg0: i32) -> (i32, i32) {
    %c0_i32 = arith.constant 0 : i32
    %c0_i32_0 = arith.constant 0 : i32
    %c0_i32_1 = arith.constant 0 : i32
    return %c0_i32, %c0_i32_0 : i32, i32
  }
  func.func @transform_10(%arg0: i32) -> (i32, i32) {
    %c0_i32 = arith.constant 0 : i32
    %c0_i32_0 = arith.constant 0 : i32
    %c0_i32_1 = arith.constant 0 : i32
    return %c0_i32, %c0_i32_0 : i32, i32
  }
  func.func @transform_11(%arg0: i32) -> (i32, i32) {
    %c0_i32 = arith.constant 0 : i32
    %c0_i32_0 = arith.constant 0 : i32
    %c0_i32_1 = arith.constant 0 : i32
    return %c0_i32, %c0_i32_0 : i32, i32
  }
  func.func @transform_12(%arg0: i32) -> (i32, i32, i32) {
    %c0_i32 = arith.constant 0 : i32
    %c0_i32_0 = arith.constant 0 : i32
    %c0_i32_1 = arith.constant 0 : i32
    %c0_i32_2 = arith.constant 0 : i32
    return %c0_i32, %c0_i32_0, %c0_i32_1 : i32, i32, i32
  }
  func.func @transform_13(%arg0: i32) -> (i32, i32, i32) {
    %c0_i32 = arith.constant 0 : i32
    %c0_i32_0 = arith.constant 0 : i32
    %c0_i32_1 = arith.constant 0 : i32
    %c0_i32_2 = arith.constant 0 : i32
    return %c0_i32, %c0_i32_0, %c0_i32_1 : i32, i32, i32
  }
  func.func @transform_14(%arg0: i32) -> (i32, i32) {
    %c0_i32 = arith.constant 0 : i32
    %c0_i32_0 = arith.constant 0 : i32
    %c0_i32_1 = arith.constant 0 : i32
    return %c0_i32, %c0_i32_0 : i32, i32
  }
  func.func @transform_15(%arg0: i32) -> (i32, i32, i32) {
    %c0_i32 = arith.constant 0 : i32
    %c0_i32_0 = arith.constant 0 : i32
    %c0_i32_1 = arith.constant 0 : i32
    return %c0_i32, %arg0, %c0_i32_0 : i32, i32, i32
  }
}

module attributes {stable_mosaic.version = 14 : i64} {
  func.func @_mean_body(%arg0: i32, %arg1: memref<2x2000x32xf32, #tpu.memory_space<vmem>>, %arg2: memref<2000x16xf32, #tpu.memory_space<vmem>>, %arg3: memref<2000x48xf32, #tpu.memory_space<vmem>>) attributes {dimension_semantics = [#tpu.dimension_semantics<arbitrary>], iteration_bounds = array<i64: 25>, scalar_prefetch = 0 : i64, scratch_operands = 0 : i64, tpu.core_type = #tpu.core_type<tc>, window_params = [{transform_indices = @transform_0, window_bounds = array<i64: 2, 2000, 32>}, {transform_indices = @transform_1, window_bounds = array<i64: 2000, 16>}, {transform_indices = @transform_2, window_bounds = array<i64: 2000, 48>}]} {
    %get3A = arith.constant 0 : index
    %get3A_0 = arith.constant 0 : index
    %get3A_1 = arith.constant 0 : index
    %get3A_2 = vector.load %arg1[%get3A, %get3A_0, %get3A_1] : memref<2x2000x32xf32, #tpu.memory_space<vmem>>, vector<1x2000x32xf32>
    %get3A_3 = vector.shape_cast %get3A_2 : vector<1x2000x32xf32> to vector<2000x32xf32>
    %get3A_4 = arith.constant 1 : index
    %get3A_5 = arith.constant 0 : index
    %get3A_6 = arith.constant 0 : index
    %get3A_7 = vector.load %arg1[%get3A_4, %get3A_5, %get3A_6] : memref<2x2000x32xf32, #tpu.memory_space<vmem>>, vector<1x2000x32xf32>
    %get3A_8 = vector.shape_cast %get3A_7 : vector<1x2000x32xf32> to vector<2000x32xf32>
    %slice3A = vector.extract_strided_slice %get3A_3 {offsets = [0, 24], sizes = [2000, 1], strides = [1, 1]} : vector<2000x32xf32> to vector<2000x1xf32>
    %max3A = arith.constant 1.000000e+00 : f32
    %max3A_9 = vector.broadcast %max3A : f32 to vector<2000x1xf32>
    %max3A_10 = arith.maximumf %slice3A, %max3A_9 : vector<2000x1xf32>
    %slice3A_11 = vector.extract_strided_slice %get3A_3 {offsets = [0, 0], sizes = [2000, 24], strides = [1, 1]} : vector<2000x32xf32> to vector<2000x24xf32>
    %slice3A_12 = vector.extract_strided_slice %get3A_8 {offsets = [0, 0], sizes = [2000, 24], strides = [1, 1]} : vector<2000x32xf32> to vector<2000x24xf32>
    %concatenate3A = tpu.concatenate %slice3A_11, %slice3A_12 in 1 : vector<2000x24xf32>, vector<2000x24xf32> -> vector<2000x48xf32>
    %get3A_13 = arith.constant 0 : index
    %get3A_14 = arith.constant 0 : index
    %get3A_15 = vector.load %arg2[%get3A_13, %get3A_14] : memref<2000x16xf32, #tpu.memory_space<vmem>>, vector<2000x16xf32>
    %broadcast_in_dim3A = arith.constant 0.000000e+00 : f32
    %broadcast_in_dim3A_16 = vector.broadcast %broadcast_in_dim3A : f32 to vector<2000x32xf32>
    %concatenate3A_17 = tpu.concatenate %get3A_15, %broadcast_in_dim3A_16 in 1 : vector<2000x16xf32>, vector<2000x32xf32> -> vector<2000x48xf32>
    %div3A = vector.broadcast %max3A_10 : vector<2000x1xf32> to vector<2000x48xf32>
    %div3A_18 = arith.divf %concatenate3A, %div3A : vector<2000x48xf32>
    %add3A = arith.addf %div3A_18, %concatenate3A_17 : vector<2000x48xf32>
    %swap3A = arith.constant 0 : index
    %swap3A_19 = arith.constant 0 : index
    %swap3A_20 = vector.load %arg3[%swap3A, %swap3A_19] : memref<2000x48xf32, #tpu.memory_space<vmem>>, vector<2000x48xf32>
    tpu.vector_store %arg3[%swap3A, %swap3A_19], %add3A {strides = array<i32>} : memref<2000x48xf32, #tpu.memory_space<vmem>>, vector<2000x48xf32>,
    return
  }
  func.func @transform_0(%arg0: i32) -> (i32, i32, i32) {
    %c0_i32 = arith.constant 0 : i32
    %c0_i32_0 = arith.constant 0 : i32
    %c0_i32_1 = arith.constant 0 : i32
    return %c0_i32, %arg0, %c0_i32_0 : i32, i32, i32
  }
  func.func @transform_1(%arg0: i32) -> (i32, i32) {
    %c0_i32 = arith.constant 0 : i32
    %c0_i32_0 = arith.constant 0 : i32
    return %arg0, %c0_i32 : i32, i32
  }
  func.func @transform_2(%arg0: i32) -> (i32, i32) {
    %c0_i32 = arith.constant 0 : i32
    %c0_i32_0 = arith.constant 0 : i32
    return %arg0, %c0_i32 : i32, i32
  }
}

</mosaic_0001>

<sc_bundles>
// kernel: kernel.6.cloned.1.call-start
scs
__scs_entry_jumppad:
0x0: {  	(pc) =	sbr.rel $0x88, $3  }
0x1: {  	(tag) =	ssettag $0x0;
	lr =	simm.s32 $0x1  }
0x2: {  	[smem:$0x3F99] =	sst lr;
	_ =	strace $0xD0000000  }
0x3: {  	_ = 	snop  }
0x4: {  	_ = 	snop  }
0x5: {  	_ = 	snop  }
0x6: {  	_ = 	snop  }
0x7: {  	_ = 	snop  }
__scs_overlays_trampoline_lowered:
0x8: {  	[smem:$0x3FA8] =	sst s0  }
0x9: {  	[smem:$0x3FA9] =	sst s1  }
0xa: {  	[smem:$0x3FAA] =	sst s2  }
0xb: {  	[smem:$0x3FAB] =	sst s3  }
0xc: {  	[smem:$0x3FAC] =	sst s4  }
0xd: {  	[smem:$0x3FAD] =	sst s5  }
0xe: {  	[smem:$0x3FAE] =	sst s6  }
0xf: {  	[smem:$0x3FAF] =	sst s7  }
0x10: {  	[smem:$0x3FB0] =	sst s8  }
0x11: {  	[smem:$0x3FB1] =	sst s9;
	s0 =	simm.s32 @!p0 $0x0  }
0x12: {  	s1 =	sld [smem:$0x3F97];
	s0 =	simm.s32 @p0 $0x1  }
0x13: {  	[smem:$0x3FB2] =	sst s0;
	s0 =	simm.s32 @!p1 $0x0  }
0x14: {  	s2 =	sld [smem:$0x3F96];
	s0 =	simm.s32 @p1 $0x1  }
0x15: {  	[smem:$0x3FB3] =	sst s0;
	s0 =	simm.s32 @!p2 $0x0  }
0x16: {  	s3 =	sld [smem:$0x3FDB];
	s0 =	simm.s32 @p2 $0x1  }
0x17: {  	s4 =	simm.s32 $0x1BF5;
	[smem:$0x3FB5] =	sst s0  }
0x18: {  	s0 =	sld [smem:$0x3F98];
	_ =	swait.ge [sflag:s4], $0x0  }
0x19: {  	s7 =	sld [smem:$0x3F99]  }
0x1a: {  	s8 =	sadd.s32 $0xFFFFE003, lr  }
0x1b: {  	s9 =	sadd.s32 $0xFFFFFEF7, lr;
	s5 =	simm.s32 $0xFFFFFFFF;
	p2 =	slt.u32 s8, $0xFFFFF086  }
0x1c: {  	p1 =	slt.u32 s9, $0xF7A;
	s5 =	simm.s32 @!p2 $0x0  }
0x1d: {  	s5 =	simm.s32 @p1 $0x1;
	p0 =	seq.s32 s7, s2  }
0x1e: {  	s7 =	smul.u32 @!p0 $0xF7A, s2;
	p2 =	seq.s32 @!p0 s5, $0x0  }
0x1f: {  	s9 =	smul.u32 $0xF7A, s1;
	s8 =	simm.s32 @!p0 $0x1BF5;
	p2 =	por !p2, p0  }
0x20: {  	[sflag:s8] =	ssyncset.s32 @!p0 $0xFFFFF086;
	s6 =	sadd.s32 @!p0 s3, s7;
	s7 =	simm.s32 @!p0 $0x108  }
0x21: {  	s3 =	sadd.s32 s3, s9;
	s6 =	sadd.s32 @!p0 $0x88, s6;
	s7 =	simm.s32 @p2 $0x1082  }
0x22: {  	[simem:s7], [sflag:s8] =	dma.local @!p0 [hbm:s6], $0xF7A  }
0x23: {  	s9 =	sor.u32 $0xD0000000, s2;
	s6 =	simm.s32 $0x108;
	_ =	swait.ge @!p0 [sflag:s8], $0x0  }
0x24: {  	s3 =	sadd.s32 $0x88, s3;
	s6 =	simm.s32 @!p1 $0x1082;
	[sflag:s4] =	ssyncset.s32 $0xFFFFF086  }
0x25: {  	[simem:s6], [sflag:s4] =	dma.local [hbm:s3], $0xF7A  }
0x26: {  	[smem:$0x3F99] =	sst s1;
	(tag) =	ssettag s2;
	_ =	strace s9  }
0x27: {  	s1 =	sld [smem:$0x3FA9]  }
0x28: {  	s2 =	sld [smem:$0x3FAA]  }
0x29: {  	s4 =	sld [smem:$0x3FAC]  }
0x2a: {  	p0 =	seq.s32 s5, $0x0;
	s5 =	sld [smem:$0x3FAD]  }
0x2b: {  	s6 =	sld [smem:$0x3FAE]  }
0x2c: {  	s7 =	sld [smem:$0x3FAF]  }
0x2d: {  	s3 =	simm.s32 $0x108;
	s8 =	sld [smem:$0x3FB0]  }
0x2e: {  	s3 =	simm.s32 @!p0 $0x1082;
	s9 =	sld [smem:$0x3FB1]  }
0x2f: {  	lr =	sadd.s32 s0, s3;
	s0 =	sld [smem:$0x3FA8]  }
0x30: {  	s3 =	sld [smem:$0x3FAB]  }
0x31: {  	[smem:$0x3FB4] =	sst s10  }
0x32: {  	s10 =	sld [smem:$0x3FB2];
	_ =	sdelay $0x3  }
0x33: {  	p0 =	seq.s32 s10, $0x1;
	s10 =	sld [smem:$0x3FB4];
	_ =	sdelay $0x3  }
0x34: {  	[smem:$0x3FB4] =	sst s10  }
0x35: {  	s10 =	sld [smem:$0x3FB3];
	_ =	sdelay $0x3  }
0x36: {  	p1 =	seq.s32 s10, $0x1;
	s10 =	sld [smem:$0x3FB4];
	_ =	sdelay $0x3  }
0x37: {  	[smem:$0x3FB4] =	sst s10  }
0x38: {  	s10 =	sld [smem:$0x3FB5]  }
0x39: {  	_ = 	snop;
	(pc) =	sbr.ind lr, $3  }
0x3a: {  	_ = 	snop  }
0x3b: {  	_ = 	snop  }
0x3c: {  	p2 =	seq.s32 s10, $0x1;
	s10 =	sld [smem:$0x3FB4]  }
0x3d: {  	_ =	shalt  }
0x3e: {  	_ =	shalt  }
0x3f: {  	_ =	shalt  }
0x40: {  	_ =	shalt  }
0x41: {  	_ =	shalt  }
0x42: {  	_ =	shalt  }
0x43: {  	_ =	shalt  }
0x44: {  	_ =	shalt  }
0x45: {  	_ =	shalt  }
0x46: {  	_ =	shalt  }
0x47: {  	_ =	shalt  }
0x48: {  	_ =	shalt  }
0x49: {  	_ =	shalt  }
0x4a: {  	_ =	shalt  }
0x4b: {  	_ =	shalt  }
0x4c: {  	_ =	shalt  }
0x4d: {  	_ =	shalt  }
0x4e: {  	_ =	shalt  }
0x4f: {  	_ =	shalt  }
0x50: {  	_ =	shalt  }
0x51: {  	_ =	shalt  }
0x52: {  	_ =	shalt  }
0x53: {  	_ =	shalt  }
0x54: {  	_ =	shalt  }
0x55: {  	_ =	shalt  }
0x56: {  	_ =	shalt  }
0x57: {  	_ =	shalt  }
0x58: {  	_ =	shalt  }
0x59: {  	_ =	shalt  }
0x5a: {  	_ =	shalt  }
0x5b: {  	_ =	shalt  }
0x5c: {  	_ =	shalt  }
0x5d: {  	_ =	shalt  }
0x5e: {  	_ =	shalt  }
0x5f: {  	_ =	shalt  }
0x60: {  	_ =	shalt  }
0x61: {  	_ =	shalt  }
0x62: {  	_ =	shalt  }
0x63: {  	_ =	shalt  }
0x64: {  	_ =	shalt  }
0x65: {  	_ =	shalt  }
0x66: {  	_ =	shalt  }
0x67: {  	_ =	shalt  }
0x68: {  	_ =	shalt  }
0x69: {  	_ =	shalt  }
0x6a: {  	_ =	shalt  }
0x6b: {  	_ =	shalt  }
0x6c: {  	_ =	shalt  }
0x6d: {  	_ =	shalt  }
0x6e: {  	_ =	shalt  }
0x6f: {  	_ =	shalt  }
0x70: {  	_ =	shalt  }
0x71: {  	_ =	shalt  }
0x72: {  	_ =	shalt  }
0x73: {  	_ =	shalt  }
0x74: {  	_ =	shalt  }
0x75: {  	_ =	shalt  }
0x76: {  	_ =	shalt  }
0x77: {  	_ =	shalt  }
0x78: {  	_ =	shalt  }
0x79: {  	_ =	shalt  }
0x7a: {  	_ =	shalt  }
0x7b: {  	_ =	shalt  }
0x7c: {  	_ =	shalt  }
0x7d: {  	_ =	shalt  }
0x7e: {  	_ =	shalt  }
0x7f: {  	_ =	shalt  }
0x80: {  	_ =	shalt  }
0x81: {  	_ =	shalt  }
0x82: {  	_ =	shalt  }
0x83: {  	_ =	shalt  }
0x84: {  	_ =	shalt  }
0x85: {  	_ =	shalt  }
0x86: {  	_ =	shalt  }
0x87: {  	_ =	shalt  }
.Lfunc_end0:
.L_simem_size_0:
called_computation_lowered:
.L_overlay_start_0:
0x88: {  	s2 =	sld [smem:$0x3FD9]  }
0x89: {  	s3 =	sld [smem:$0x3FFE];
	_ =	sdelay $0x1  }
0x8a: {  	s1 =	srdreg.scid  }
0x8b: {  	s0 =	sand.u32 $0x1, s1  }
0x8c: {  	s17 =	sshll.u32 s0, $0xA;
	s2 =	sadd.s32 s3, s2  }
0x8d: {  	s2 =	sadd.s32 s2, s17  }
0x8e: {  	[smem:$0x3FC0] =	sst s2  }
0x8f: {  	_ = 	snop  }
0x90: {  	s2 =	sld [smem:$0x3FD0];
	(tm) =	ssettm $0x1  }
0x91: {  	s18 =	sld [smem:$0x3FFB];
	_ =	sdelay $0x3  }
0x92: {  	_ =	strace s18  }
0x93: {  	s3 =	sld [smem:$0x3FFC];
	_ =	sdelay $0x3  }
0x94: {  	_ =	strace s3  }
0x95: {  	s3 =	sld [smem:$0x3FFD];
	_ =	sdelay $0x3  }
0x96: {  	_ =	strace s3  }
0x97: {  	_ =	strace $0x8FFFFFFF  }
0x98: {  	s19 =	sld [smem:$0x3FDB];
	_ =	sdelay $0x1  }
0x99: {  	s4 =	simm.s32 $_scs_section_size  }
0x9a: {  	s5 =	simm.s32 $_size__tile_overlayer_lowered;
	s6 =	simm.s32 $_tile_overlayer_lowered  }
0x9b: {  	s22 =	simm.s32 $0x1BFF;
	s21 =	sshll.u32 s6, $0x1;
	s3 =	sadd.s32 s4, s19  }
0x9c: {  	s7 =	simm.s32 $0x0;
	s20 =	sshll.u32 s5, $0x1;
	s5 =	sadd.s32 s21, s3  }
0x9d: {  	[timem:s7], [sflag:s22] =	dma.local [hbm:s5], s20  }
0x9e: {  	_ =	swait.ge [sflag:s22], s20  }
0x9f: {  	s4 =	ssub.s32 $0x0, s20;
	[sflag:s22] =	ssyncset.done $0x0  }
0xa0: {  	[sflag:s22] =	ssyncadd.s32 s4;
	_ =	sdelay $0x1  }
0xa1: {  	s23 =	simm.s32 $0x1B8B  }
0xa2: {  	_ =	swait.ge [sflag:s23], $0x1  }
0xa3: {  	[sflag:s23] =	ssyncset.done $0x0  }
0xa4: {  	s25 =	simm.s32 $0x1B8E;
	s24 =	sld [smem:$0x3FFE];
	[sflag:s23] =	ssyncadd.s32 $0xFFFFFFFF  }
0xa5: {  	s26 =	simm.s32 $execute0_lowered;
	[smem:$0x3FD2] =	sst s25  }
0xa6: {  	s5 =	sshll.u32 s26, $0x1;
	_ =	strace $0x80000046;
	[dreg:$0x1] =	wrdreg $0xFFFFFFFF  }
0xa7: {  	s28 =	simm.s32 $_size_execute0_lowered;
	s3 =	sadd.s32 s3, s5;
	[dreg:$0x0] =	wrdreg $0x0  }
0xa8: {  	s5 =	sshll.u32 s28, $0x1;
	[dreg:$0x2] =	wrdreg s3  }
0xa9: {  	[dreg:$0x3] =	wrdreg s5  }
0xaa: {  	[dreg:$0x4] =	wrdreg $0xC0  }
0xab: {  	_ =	task [dreg:s7], $0x5FFFF  }
0xac: {  	[dreg:$0x1] =	wrdreg $0xFFFFFFFF  }
0xad: {  	[dreg:$0x0] =	wrdreg $0x60  }
0xae: {  	[dreg:$0x2] =	wrdreg s2  }
0xaf: {  	[dreg:$0x3] =	wrdreg s24  }
0xb0: {  	[dreg:$0x4] =	wrdreg $0x9  }
0xb1: {  	_ =	task.clear_ibuf [dreg:s7], $0x5FFFF;
	_ =	strace $0x90000046  }
0xb2: {  	s29 =	simm.s32 $0x9;
	_ =	strace $0x80000048  }
0xb3: {  	_ =	swait.ge [sflag:s29], $0x1  }
0xb4: {  	[sflag:s29] =	ssyncadd.s32 $0xFFFFFFFF  }
0xb5: {  	_ =	strace $0x90000048  }
0xb6: {  	_ =	sfence  }
0xb7: {  	s30 =	sld [smem:$0x0];
	_ =	sdelay $0x2  }
0xb8: {  	s31 =	sshll.u32 s1, $0xD;
	s1 =	sshrl.u32 s1, $0x2  }
0xb9: {  	s3 =	sand.u32 $0x4000, s31;
	s1 =	sadd.s32 s1, s30  }
0xba: {  	s0 =	sor.u32 s3, s0;
	s1 =	sshll.u32 s1, $0x11  }
0xbb: {  	s0 =	sor.u32 s1, s0  }
0xbc: {  	s0 =	sadd.s32 $0x8F2B, s0  }
0xbd: {  	[sflag:s0] =	ssyncadd.remote.s32 $0x1  }
0xbe: {  	_ =	sfence.sel $0xFFFF  }
0xbf: {  	[dreg:$0x0] =	wrdreg $0xFFFFFFFF;
	(pc) =	sbr.abs _section_cstart, $3  }
0xc0: {  	[dreg:$0x1] =	wrdreg $0xFFFFFFFF  }
0xc1: {  	_ =	task.clear_ibuf [dreg:s7], $0x2FFFF;
	_ =	strace $0x9FFFFFFF  }
0xc2: {  	(tm) =	ssettm $0x7FFFFFFF  }
0xc3: {  	_ =	shalt  }
tec
execute0_lowered:
.L_overlay_start_1:
0x0: {  	(tag) =	ssettag $0x1  }
0x1: {  	s2 =	rddreg [dreg:$0x0]  }
0x2: {  	s4 =	rddreg [dreg:$0x1]  }
0x3: {  	s0 =	rddreg [dreg:$0x2];
	s1 =	stileid.u32  }
0x4: {  	s5 =	srdreg.scid;
	s3 =	simm.s32 $0x0;
	s6 =	smul.u32 $0xC350, s1  }
0x5: {  	s10 =	simm.s32 $0x0;
	s5 =	sand.u32 $0x1, s5;
	s8 =	smul.u32 $0x186A0, s1  }
0x6: {  	[smem:$0x7FF] =	sst s3;
	s7 =	smul.u32 $0x61A8, s5;
	s9 =	ssub.s32 $0x2, s5  }
0x7: {  	_ =	strace $0x80000047;
	s5 =	smul.u32 $0xC350, s5;
	s31 =	sshrl.u32 s9, $0x1  }
0x8: {  	s8 =	sadd.s32 s8, s4;
	s6 =	sadd.s32 s7, s6;
	s7 =	ssub.s32 s9, s31  }
0x9: {  	s5 =	sadd.s32 s5, s8;
	s8 =	simm.s32 $0x3E8;
	s6 =	sshrl.u32 s6, $0x3  }
0xa: {  	s9 =	simm.s32 $0x1;
	s5 =	sadd.s32 $0xDDA00, s5;
	s6 =	sadd.s32 s6, s4  }
0xb: {  	s4 =	smax.u32 s7, $0x1;
	s7 =	simm.s32 $0x2;
	s6 =	sadd.s32 $0xC5200, s6  }
.LBB2_1:
0xc: {  	s11 =	sadd.s32 $0x0, s6  }
0xd: {  	[tilespmem:s3], [sflag:$0x2] =	stream.linear.gather [hbm4b:s11+s3], $0x3E8, $0x38;
	[tilespmem:$0x4268] =	vst v63  }
0xe: {  	_ =	swait.ge [sflag:s7], $0x3E8  }
0xf: {  	[sflag:s7] =	ssyncset.done $0x0  }
0x10: {  	[sflag:s7] =	ssyncadd.s32 $0xFFFFFC18  }
0x11: {  	[tilespmem:s8], [sflag:$0x1] =	stream.indirect.gather [hbm4b:s2+s8], $0x10, s3, s8, $0xb8;
	[tilespmem:$0x4268] =	vst v63  }
0x12: {  	_ =	swait.ge [sflag:s9], $0x3E80  }
0x13: {  	[sflag:s9] =	ssyncset.done $0x0  }
0x14: {  	[sflag:s9] =	ssyncadd.s32 $0xFFFFC180  }
0x15: {  	[hbm4b:s5+s3] =	stream.linear.scatter [tilespmem:s8], [sflag:$0x2], $0x3E80, $0x38;
	[tilespmem:$0x4268] =	vst v63  }
0x16: {  	s12 =	simm.s32 $0x7D;
	_ =	swait.ge [sflag:s7], $0x3E80  }
0x17: {  	s13 =	simm.s32 $0xFA;
	s11 =	sadd.s32 $0x7D0, s5;
	[sflag:s7] =	ssyncset.done $0x0  }
.LBB2_2:
0x18: {  	s14 =	sadd.s32 s12, s6  }
0x19: {  	[sflag:s7] =	ssyncadd.s32 $0xFFFFC180;
	s12 =	smov.u32 s13;
	s15 =	sadd.s32 $0x7D, s13  }
0x1a: {  	[tilespmem:s3], [sflag:$0x2] =	stream.linear.gather [hbm4b:s14+s3], $0x3E8, $0x38;
	[tilespmem:$0x4268] =	vst v63  }
0x1b: {  	p0 =	sne.s32 s13, $0xBB8;
	_ =	swait.ge [sflag:s7], $0x3E8  }
0x1c: {  	[sflag:s7] =	ssyncset.done $0x0  }
0x1d: {  	[sflag:s7] =	ssyncadd.s32 $0xFFFFFC18  }
0x1e: {  	[tilespmem:s8], [sflag:$0x1] =	stream.indirect.gather [hbm4b:s2+s8], $0x10, s3, s8, $0xb8;
	[tilespmem:$0x4268] =	vst v63  }
0x1f: {  	_ =	swait.ge [sflag:s9], $0x3E80  }
.Ltmp0:
0x20: {  	[sflag:s9] =	ssyncset.done $0x0;
	(pc) =	sbr.rel @p0 .LBB2_2-.Ltmp0, $4  }
0x21: {  	[sflag:s9] =	ssyncadd.s32 $0xFFFFC180  }
0x22: {  	[hbm4b:s11+s3] =	stream.linear.scatter [tilespmem:s8], [sflag:$0x2], $0x3E80, $0x38;
	[tilespmem:$0x4268] =	vst v63  }
0x23: {  	_ =	swait.ge [sflag:s7], $0x3E80  }
0x24: {  	s13 =	smov.u32 s15;
	s11 =	sadd.s32 $0x7D0, s11;
	[sflag:s7] =	ssyncset.done $0x0  }
0x25: {  	s12 =	sadd.s32 s12, s6;
	[sflag:s7] =	ssyncadd.s32 $0xFFFFC180  }
0x26: {  	[tilespmem:s3], [sflag:$0x2] =	stream.linear.gather [hbm4b:s12+s3], $0x3E8, $0x38;
	[tilespmem:$0x4268] =	vst v63  }
0x27: {  	_ =	swait.ge [sflag:s7], $0x3E8  }
0x28: {  	[sflag:s7] =	ssyncset.done $0x0  }
0x29: {  	[sflag:s7] =	ssyncadd.s32 $0xFFFFFC18  }
0x2a: {  	[tilespmem:s8], [sflag:$0x1] =	stream.indirect.gather [hbm4b:s2+s8], $0x10, s3, s8, $0xb8;
	[tilespmem:$0x4268] =	vst v63  }
0x2b: {  	s10 =	sadd.s32 $0x1, s10;
	_ =	swait.ge [sflag:s9], $0x3E80  }
0x2c: {  	p0 =	sne.s32 s10, s4;
	[sflag:s9] =	ssyncset.done $0x0  }
.Ltmp1:
0x2d: {  	[sflag:s9] =	ssyncadd.s32 $0xFFFFC180;
	(pc) =	sbr.rel @p0 .LBB2_1-.Ltmp1, $4  }
0x2e: {  	[hbm4b:s11+s3] =	stream.linear.scatter [tilespmem:s8], [sflag:$0x2], $0x3E80, $0x38;
	[tilespmem:$0x4268] =	vst v63  }
0x2f: {  	_ =	swait.ge [sflag:s7], $0x3E80  }
0x30: {  	[sflag:s7] =	ssyncset.done $0x0  }
0x31: {  	[sflag:s7] =	ssyncadd.s32 $0xFFFFC180  }
0x32: {  	_ =	sfence.sel $0x180000  }
0x33: {  	[bflag:$0x0] =	sbarrier.arrive $0xFFFF  }
0x34: {  	p0 =	sne.s32 s1, $0x0;
	_ =	strace $0x90000047  }
0x35: {  	s0 =	sadd.s32 @!p0 $0x100000, s0;
	[bflag:$0x2] =	sbarrier.arrive $0xFFFF  }
0x36: {  	[sflag:s0] =	ssyncadd.tile.s32 @!p0 $0x1;
	_ =	shalt  }
.Lfunc_end2:
_tile_overlayer_lowered:
.L_overlay_start_2:
0x37: {  	(tag) =	ssettag $0x2  }
0x38: {  	s0 =	rddreg [dreg:$0x0];
	s2 =	stileid.u32  }
0x39: {  	s1 =	rddreg [dreg:$0x1];
	p0 =	sne.s32 s2, $0x0  }
0x3a: {  	s3 =	rddreg [dreg:$0x2];
	[bflag:$0x3] =	sbarrier.arrive $0xFFFF;
	s2 =	simm.s32 @!p0 $0x1C02  }
0x3b: {  	[timem:s3], [sflag:s2] =	dma.local @!p0 [hbm:s0], s1  }
0x3c: {  	s0 =	simm.s32 @!p0 $0x2  }
0x3d: {  	_ =	swait.ge @!p0 [sflag:s0], s1  }
0x3e: {  	s1 =	ssub.s32 @!p0 $0x0, s1;
	[sflag:s0] =	ssyncset.done @!p0 $0x0  }
0x3f: {  	[sflag:s0] =	ssyncadd.s32 @!p0 s1  }
0x40: {  	[bflag:$0x3] =	sbarrier.arrive $0xFFFF  }
0x41: {  	_ =	shalt  }

// kernel: kernel.9.cloned.1.call-start
scs
__scs_entry_jumppad:
0x0: {  	(pc) =	sbr.rel $0x88, $3  }
0x1: {  	(tag) =	ssettag $0x0;
	lr =	simm.s32 $0x1  }
0x2: {  	[smem:$0x3F99] =	sst lr;
	_ =	strace $0xD0000000  }
0x3: {  	_ = 	snop  }
0x4: {  	_ = 	snop  }
0x5: {  	_ = 	snop  }
0x6: {  	_ = 	snop  }
0x7: {  	_ = 	snop  }
__scs_overlays_trampoline_lowered:
0x8: {  	[smem:$0x3FA8] =	sst s0  }
0x9: {  	[smem:$0x3FA9] =	sst s1  }
0xa: {  	[smem:$0x3FAA] =	sst s2  }
0xb: {  	[smem:$0x3FAB] =	sst s3  }
0xc: {  	[smem:$0x3FAC] =	sst s4  }
0xd: {  	[smem:$0x3FAD] =	sst s5  }
0xe: {  	[smem:$0x3FAE] =	sst s6  }
0xf: {  	[smem:$0x3FAF] =	sst s7  }
0x10: {  	[smem:$0x3FB0] =	sst s8  }
0x11: {  	[smem:$0x3FB1] =	sst s9;
	s0 =	simm.s32 @!p0 $0x0  }
0x12: {  	s1 =	sld [smem:$0x3F97];
	s0 =	simm.s32 @p0 $0x1  }
0x13: {  	[smem:$0x3FB2] =	sst s0;
	s0 =	simm.s32 @!p1 $0x0  }
0x14: {  	s2 =	sld [smem:$0x3F96];
	s0 =	simm.s32 @p1 $0x1  }
0x15: {  	[smem:$0x3FB3] =	sst s0;
	s0 =	simm.s32 @!p2 $0x0  }
0x16: {  	s3 =	sld [smem:$0x3FDB];
	s0 =	simm.s32 @p2 $0x1  }
0x17: {  	s4 =	simm.s32 $0x1BF5;
	[smem:$0x3FB5] =	sst s0  }
0x18: {  	s0 =	sld [smem:$0x3F98];
	_ =	swait.ge [sflag:s4], $0x0  }
0x19: {  	s7 =	sld [smem:$0x3F99]  }
0x1a: {  	s8 =	sadd.s32 $0xFFFFE003, lr  }
0x1b: {  	s9 =	sadd.s32 $0xFFFFFEF7, lr;
	s5 =	simm.s32 $0xFFFFFFFF;
	p2 =	slt.u32 s8, $0xFFFFF086  }
0x1c: {  	p1 =	slt.u32 s9, $0xF7A;
	s5 =	simm.s32 @!p2 $0x0  }
0x1d: {  	s5 =	simm.s32 @p1 $0x1;
	p0 =	seq.s32 s7, s2  }
0x1e: {  	s7 =	smul.u32 @!p0 $0xF7A, s2;
	p2 =	seq.s32 @!p0 s5, $0x0  }
0x1f: {  	s9 =	smul.u32 $0xF7A, s1;
	s8 =	simm.s32 @!p0 $0x1BF5;
	p2 =	por !p2, p0  }
0x20: {  	[sflag:s8] =	ssyncset.s32 @!p0 $0xFFFFF086;
	s6 =	sadd.s32 @!p0 s3, s7;
	s7 =	simm.s32 @!p0 $0x108  }
0x21: {  	s3 =	sadd.s32 s3, s9;
	s6 =	sadd.s32 @!p0 $0x88, s6;
	s7 =	simm.s32 @p2 $0x1082  }
0x22: {  	[simem:s7], [sflag:s8] =	dma.local @!p0 [hbm:s6], $0xF7A  }
0x23: {  	s9 =	sor.u32 $0xD0000000, s2;
	s6 =	simm.s32 $0x108;
	_ =	swait.ge @!p0 [sflag:s8], $0x0  }
0x24: {  	s3 =	sadd.s32 $0x88, s3;
	s6 =	simm.s32 @!p1 $0x1082;
	[sflag:s4] =	ssyncset.s32 $0xFFFFF086  }
0x25: {  	[simem:s6], [sflag:s4] =	dma.local [hbm:s3], $0xF7A  }
0x26: {  	[smem:$0x3F99] =	sst s1;
	(tag) =	ssettag s2;
	_ =	strace s9  }
0x27: {  	s1 =	sld [smem:$0x3FA9]  }
0x28: {  	s2 =	sld [smem:$0x3FAA]  }
0x29: {  	s4 =	sld [smem:$0x3FAC]  }
0x2a: {  	p0 =	seq.s32 s5, $0x0;
	s5 =	sld [smem:$0x3FAD]  }
0x2b: {  	s6 =	sld [smem:$0x3FAE]  }
0x2c: {  	s7 =	sld [smem:$0x3FAF]  }
0x2d: {  	s3 =	simm.s32 $0x108;
	s8 =	sld [smem:$0x3FB0]  }
0x2e: {  	s3 =	simm.s32 @!p0 $0x1082;
	s9 =	sld [smem:$0x3FB1]  }
0x2f: {  	lr =	sadd.s32 s0, s3;
	s0 =	sld [smem:$0x3FA8]  }
0x30: {  	s3 =	sld [smem:$0x3FAB]  }
0x31: {  	[smem:$0x3FB4] =	sst s10  }
0x32: {  	s10 =	sld [smem:$0x3FB2];
	_ =	sdelay $0x3  }
0x33: {  	p0 =	seq.s32 s10, $0x1;
	s10 =	sld [smem:$0x3FB4];
	_ =	sdelay $0x3  }
0x34: {  	[smem:$0x3FB4] =	sst s10  }
0x35: {  	s10 =	sld [smem:$0x3FB3];
	_ =	sdelay $0x3  }
0x36: {  	p1 =	seq.s32 s10, $0x1;
	s10 =	sld [smem:$0x3FB4];
	_ =	sdelay $0x3  }
0x37: {  	[smem:$0x3FB4] =	sst s10  }
0x38: {  	s10 =	sld [smem:$0x3FB5]  }
0x39: {  	_ = 	snop;
	(pc) =	sbr.ind lr, $3  }
0x3a: {  	_ = 	snop  }
0x3b: {  	_ = 	snop  }
0x3c: {  	p2 =	seq.s32 s10, $0x1;
	s10 =	sld [smem:$0x3FB4]  }
0x3d: {  	_ =	shalt  }
0x3e: {  	_ =	shalt  }
0x3f: {  	_ =	shalt  }
0x40: {  	_ =	shalt  }
0x41: {  	_ =	shalt  }
0x42: {  	_ =	shalt  }
0x43: {  	_ =	shalt  }
0x44: {  	_ =	shalt  }
0x45: {  	_ =	shalt  }
0x46: {  	_ =	shalt  }
0x47: {  	_ =	shalt  }
0x48: {  	_ =	shalt  }
0x49: {  	_ =	shalt  }
0x4a: {  	_ =	shalt  }
0x4b: {  	_ =	shalt  }
0x4c: {  	_ =	shalt  }
0x4d: {  	_ =	shalt  }
0x4e: {  	_ =	shalt  }
0x4f: {  	_ =	shalt  }
0x50: {  	_ =	shalt  }
0x51: {  	_ =	shalt  }
0x52: {  	_ =	shalt  }
0x53: {  	_ =	shalt  }
0x54: {  	_ =	shalt  }
0x55: {  	_ =	shalt  }
0x56: {  	_ =	shalt  }
0x57: {  	_ =	shalt  }
0x58: {  	_ =	shalt  }
0x59: {  	_ =	shalt  }
0x5a: {  	_ =	shalt  }
0x5b: {  	_ =	shalt  }
0x5c: {  	_ =	shalt  }
0x5d: {  	_ =	shalt  }
0x5e: {  	_ =	shalt  }
0x5f: {  	_ =	shalt  }
0x60: {  	_ =	shalt  }
0x61: {  	_ =	shalt  }
0x62: {  	_ =	shalt  }
0x63: {  	_ =	shalt  }
0x64: {  	_ =	shalt  }
0x65: {  	_ =	shalt  }
0x66: {  	_ =	shalt  }
0x67: {  	_ =	shalt  }
0x68: {  	_ =	shalt  }
0x69: {  	_ =	shalt  }
0x6a: {  	_ =	shalt  }
0x6b: {  	_ =	shalt  }
0x6c: {  	_ =	shalt  }
0x6d: {  	_ =	shalt  }
0x6e: {  	_ =	shalt  }
0x6f: {  	_ =	shalt  }
0x70: {  	_ =	shalt  }
0x71: {  	_ =	shalt  }
0x72: {  	_ =	shalt  }
0x73: {  	_ =	shalt  }
0x74: {  	_ =	shalt  }
0x75: {  	_ =	shalt  }
0x76: {  	_ =	shalt  }
0x77: {  	_ =	shalt  }
0x78: {  	_ =	shalt  }
0x79: {  	_ =	shalt  }
0x7a: {  	_ =	shalt  }
0x7b: {  	_ =	shalt  }
0x7c: {  	_ =	shalt  }
0x7d: {  	_ =	shalt  }
0x7e: {  	_ =	shalt  }
0x7f: {  	_ =	shalt  }
0x80: {  	_ =	shalt  }
0x81: {  	_ =	shalt  }
0x82: {  	_ =	shalt  }
0x83: {  	_ =	shalt  }
0x84: {  	_ =	shalt  }
0x85: {  	_ =	shalt  }
0x86: {  	_ =	shalt  }
0x87: {  	_ =	shalt  }
.Lfunc_end0:
.L_simem_size_0:
called_computation.1_lowered:
.L_overlay_start_0:
0x88: {  	s2 =	sld [smem:$0x3FD9]  }
0x89: {  	s3 =	sld [smem:$0x3FFE];
	_ =	sdelay $0x1  }
0x8a: {  	s1 =	srdreg.scid  }
0x8b: {  	s0 =	sand.u32 $0x1, s1  }
0x8c: {  	s17 =	sshll.u32 s0, $0xA;
	s2 =	sadd.s32 s3, s2  }
0x8d: {  	s2 =	sadd.s32 s2, s17  }
0x8e: {  	[smem:$0x3FC0] =	sst s2  }
0x8f: {  	_ = 	snop  }
0x90: {  	s2 =	sld [smem:$0x3FD0];
	(tm) =	ssettm $0x1  }
0x91: {  	s18 =	sld [smem:$0x3FFB];
	_ =	sdelay $0x3  }
0x92: {  	_ =	strace s18  }
0x93: {  	s3 =	sld [smem:$0x3FFC];
	_ =	sdelay $0x3  }
0x94: {  	_ =	strace s3  }
0x95: {  	s3 =	sld [smem:$0x3FFD];
	_ =	sdelay $0x3  }
0x96: {  	_ =	strace s3  }
0x97: {  	_ =	strace $0x8FFFFFFF  }
0x98: {  	s19 =	sld [smem:$0x3FDB];
	_ =	sdelay $0x1  }
0x99: {  	s4 =	simm.s32 $_scs_section_size  }
0x9a: {  	s5 =	simm.s32 $_size__tile_overlayer_lowered;
	s6 =	simm.s32 $_tile_overlayer_lowered  }
0x9b: {  	s22 =	simm.s32 $0x1BFF;
	s21 =	sshll.u32 s6, $0x1;
	s3 =	sadd.s32 s4, s19  }
0x9c: {  	s7 =	simm.s32 $0x0;
	s20 =	sshll.u32 s5, $0x1;
	s5 =	sadd.s32 s21, s3  }
0x9d: {  	[timem:s7], [sflag:s22] =	dma.local [hbm:s5], s20  }
0x9e: {  	_ =	swait.ge [sflag:s22], s20  }
0x9f: {  	s4 =	ssub.s32 $0x0, s20;
	[sflag:s22] =	ssyncset.done $0x0  }
0xa0: {  	[sflag:s22] =	ssyncadd.s32 s4;
	_ =	sdelay $0x1  }
0xa1: {  	s23 =	simm.s32 $0x1B8B  }
0xa2: {  	_ =	swait.ge [sflag:s23], $0x1  }
0xa3: {  	[sflag:s23] =	ssyncset.done $0x0  }
0xa4: {  	s25 =	simm.s32 $0x1B8E;
	s24 =	sld [smem:$0x3FFE];
	[sflag:s23] =	ssyncadd.s32 $0xFFFFFFFF  }
0xa5: {  	s26 =	simm.s32 $execute0_lowered;
	[smem:$0x3FD2] =	sst s25  }
0xa6: {  	s5 =	sshll.u32 s26, $0x1;
	_ =	strace $0x80000049;
	[dreg:$0x1] =	wrdreg $0xFFFFFFFF  }
0xa7: {  	s28 =	simm.s32 $_size_execute0_lowered;
	s3 =	sadd.s32 s3, s5;
	[dreg:$0x0] =	wrdreg $0x0  }
0xa8: {  	s5 =	sshll.u32 s28, $0x1;
	[dreg:$0x2] =	wrdreg s3  }
0xa9: {  	[dreg:$0x3] =	wrdreg s5  }
0xaa: {  	[dreg:$0x4] =	wrdreg $0xC0  }
0xab: {  	_ =	task [dreg:s7], $0x5FFFF  }
0xac: {  	[dreg:$0x1] =	wrdreg $0xFFFFFFFF  }
0xad: {  	[dreg:$0x0] =	wrdreg $0x60  }
0xae: {  	[dreg:$0x2] =	wrdreg s24  }
0xaf: {  	[dreg:$0x3] =	wrdreg s2  }
0xb0: {  	[dreg:$0x4] =	wrdreg $0x67200  }
0xb1: {  	[dreg:$0x5] =	wrdreg $0x9  }
0xb2: {  	_ =	task.clear_ibuf [dreg:s7], $0x6FFFF;
	_ =	strace $0x90000049  }
0xb3: {  	s29 =	simm.s32 $0x9;
	_ =	strace $0x8000004B  }
0xb4: {  	_ =	swait.ge [sflag:s29], $0x1  }
0xb5: {  	[sflag:s29] =	ssyncadd.s32 $0xFFFFFFFF  }
0xb6: {  	_ =	strace $0x9000004B  }
0xb7: {  	_ =	sfence  }
0xb8: {  	s30 =	sld [smem:$0x0];
	_ =	sdelay $0x2  }
0xb9: {  	s31 =	sshll.u32 s1, $0xD;
	s1 =	sshrl.u32 s1, $0x2  }
0xba: {  	s3 =	sand.u32 $0x4000, s31;
	s1 =	sadd.s32 s1, s30  }
0xbb: {  	s0 =	sor.u32 s3, s0;
	s1 =	sshll.u32 s1, $0x11  }
0xbc: {  	s0 =	sor.u32 s1, s0  }
0xbd: {  	s0 =	sadd.s32 $0x8F2B, s0  }
0xbe: {  	[sflag:s0] =	ssyncadd.remote.s32 $0x1  }
0xbf: {  	_ =	sfence.sel $0xFFFF  }
0xc0: {  	[dreg:$0x0] =	wrdreg $0xFFFFFFFF;
	(pc) =	sbr.abs _section_cstart, $3  }
0xc1: {  	[dreg:$0x1] =	wrdreg $0xFFFFFFFF  }
0xc2: {  	_ =	task.clear_ibuf [dreg:s7], $0x2FFFF;
	_ =	strace $0x9FFFFFFF  }
0xc3: {  	(tm) =	ssettm $0x7FFFFFFF  }
tec
execute0_lowered:
.L_overlay_start_1:
0x0: {  	(tag) =	ssettag $0x1  }
0x1: {  	s6 =	rddreg [dreg:$0x0]  }
0x2: {  	s1 =	rddreg [dreg:$0x1]  }
0x3: {  	s3 =	rddreg [dreg:$0x2]  }
0x4: {  	s0 =	rddreg [dreg:$0x3];
	s4 =	simm.s32 $0x0  }
0x5: {  	s5 =	srdreg.scid;
	s2 =	stileid.u32;
	s16 =	simm.s32 $0x190  }
0x6: {  	s17 =	simm.s32 $0x1;
	s18 =	simm.s32 $0x2;
	s8 =	smul.u32 $0x186A0, s2  }
0x7: {  	s19 =	simm.s32 $0x0;
	[smem:$0x7FF] =	sst s4;
	s13 =	smul.u32 $0x186A00, s2  }
0x8: {  	s7 =	sand.u32 $0x1, s5;
	s5 =	sadd.s32 $0x11BFC00, s6;
	s26 =	smul.u32 $0xC350, s2  }
0x9: {  	s11 =	sadd.s32 $0x572400, s6;
	s28 =	sshll.u32 s2, $0x6;
	s15 =	smul.u32 $0x186A, s2  }
0xa: {  	_ =	strace $0x8000004A;
	s9 =	smul.u32 $0x186A00, s7;
	s10 =	ssub.s32 $0x2, s7  }
0xb: {  	s7 =	smul.u32 $0x186A000, s7;
	s12 =	sshrl.u32 s10, $0x1;
	s14 =	sadd.s32 s8, s3  }
0xc: {  	s30 =	sshrl.u32 s26, $0x3;
	s31 =	sadd.s32 s15, s11;
	s15 =	simm.s32 $0x320  }
0xd: {  	s9 =	sadd.s32 s8, s9;
	s10 =	ssub.s32 s10, s12;
	s29 =	sadd.s32 s13, s7  }
0xe: {  	s7 =	sadd.s32 s11, s30;
	s12 =	sadd.s32 $0x32, s31;
	s9 =	sshrl.u32 s9, $0x3  }
0xf: {  	s13 =	sshrl.u32 s29, $0x3;
	s10 =	smax.u32 s10, $0x1;
	s11 =	sadd.s32 $0x3200, s29  }
0x10: {  	s9 =	sadd.s32 s9, s6;
	s6 =	sor.u32 $0x1C05, s28;
	s8 =	sadd.s32 s5, s13  }
0x11: {  	s13 =	sshrl.u32 s14, $0x3;
	s14 =	simm.s32 $0x5;
	s9 =	sadd.s32 $0xC5200, s9  }
.LBB2_1:
0x12: {  	[spmem:s13], [sflag:s6] =	dma.local [hbm:s1], $0x30D4  }
0x13: {  	_ =	swait.ge [sflag:s14], $0x30D4  }
0x14: {  	[sflag:s14] =	ssyncset.done $0x0  }
0x15: {  	s20 =	sand.u32 $0x1, s17;
	[sflag:s14] =	ssyncadd.s32 $0xFFFFCF2C  }
0x16: {  	s21 =	smul.u32 $0x640, s20;
	[bflag:$0x0] =	sbarrier.arrive $0xFFFF  }
0x17: {  	[tilespmem:s4], [sflag:$0x1] =	stream.linear.gather [hbm4b:s7+s4], $0x190, $0x38;
	[tilespmem:$0x1EDC0] =	vst v63  }
0x18: {  	s22 =	simm.s32 $0x0;
	s24 =	sshrl.u32 s11, $0x3;
	s23 =	smul.u32 $0xC800, s20  }
0x19: {  	[tilespmem:s15], [sflag:$0x2] =	stream.linear.gather [hbm4b:s8+s4], $0x3200, $0x38;
	[tilespmem:$0x1EDC0] =	vst v63  }
0x1a: {  	s25 =	sshll.u32 s20, $0x1;
	s20 =	sshllo.u32 s20, $0x1;
	s21 =	sshrl.u32 s21, $0x2  }
0x1b: {  	[tilespmem:s21], [sflag:s20] =	stream.linear.gather [hbm4b:s12+s4], $0x190, $0x38;
	[tilespmem:$0x1EDC0] =	vst v63  }
0x1c: {  	s28 =	sadd.s32 s5, s24;
	s23 =	sshrl.u32 s23, $0x2;
	s20 =	sand.u32 $0x1, s22  }
0x1d: {  	s26 =	sadd.s32 $0x2, s25;
	s21 =	sadd.s32 $0x320, s23;
	s29 =	sshllo.u32 s20, $0x1  }
0x1e: {  	[tilespmem:s21], [sflag:s26] =	stream.linear.gather [hbm4b:s28+s4], $0x3200, $0x38;
	[tilespmem:$0x1EDC0] =	vst v63  }
0x1f: {  	_ =	swait.ge [sflag:s29], $0x190  }
0x20: {  	s30 =	sshll.u32 s20, $0x1;
	[sflag:s29] =	ssyncset.done $0x0  }
0x21: {  	s31 =	smul.u32 $0xC800, s20;
	s21 =	sadd.s32 $0x2, s30;
	[sflag:s29] =	ssyncadd.s32 $0xFFFFFE70  }
0x22: {  	s20 =	smul.u32 $0x640, s20;
	_ =	swait.ge [sflag:s21], $0x3200  }
0x23: {  	s22 =	sshrl.u32 s31, $0x2;
	[sflag:s21] =	ssyncset.done $0x0  }
0x24: {  	s20 =	sshrl.u32 s20, $0x2;
	s22 =	sadd.s32 $0x320, s22;
	[sflag:s21] =	ssyncadd.s32 $0xFFFFCE00  }
0x25: {  	[spmem:s3] =	stream.indirect.scatter.add.f32 [tilespmem:s22], [sflag:$0x5], $0x20, s20, s16, $0xb8;
	[tilespmem:$0x1EDC0] =	vst v63  }
0x26: {  	s23 =	simm.s32 $0x3;
	s21 =	sadd.s32 $0x3200, s11;
	s22 =	simm.s32 $0x2  }
0x27: {  	s20 =	sadd.s32 $0x32, s12;
	s24 =	sand.u32 $0x1, s22;
	_ =	swait.ge [sflag:s14], $0x3200  }
.LBB2_2:
0x28: {  	s25 =	sadd.s32 $0xFFFFFFFF, s22;
	s26 =	smul.u32 $0x640, s24  }
0x29: {  	[sflag:s14] =	ssyncset.done $0x0;
	s22 =	smov.u32 s23;
	s28 =	smul.u32 $0xC800, s24  }
0x2a: {  	s29 =	sshrl.u32 s21, $0x3;
	s30 =	sshll.u32 s24, $0x1;
	[sflag:s14] =	ssyncadd.s32 $0xFFFFCE00  }
0x2b: {  	s24 =	sshllo.u32 s24, $0x1;
	p0 =	sne.s32 s23, $0x7C;
	s26 =	sshrl.u32 s26, $0x2  }
0x2c: {  	[tilespmem:s26], [sflag:s24] =	stream.linear.gather [hbm4b:s20+s4], $0x190, $0x38;
	[tilespmem:$0x1EDC0] =	vst v63  }
0x2d: {  	s24 =	sand.u32 $0x1, s25;
	s25 =	sshrl.u32 s28, $0x2;
	s26 =	sadd.s32 $0x2, s30  }
0x2e: {  	s28 =	sadd.s32 s5, s29;
	s25 =	sadd.s32 $0x320, s25;
	s29 =	sshllo.u32 s24, $0x1  }
0x2f: {  	[tilespmem:s25], [sflag:s26] =	stream.linear.gather [hbm4b:s28+s4], $0x3200, $0x38;
	[tilespmem:$0x1EDC0] =	vst v63  }
0x30: {  	s25 =	sshll.u32 s24, $0x1;
	s26 =	smul.u32 $0xC800, s24;
	_ =	swait.ge [sflag:s29], $0x190  }
0x31: {  	s24 =	smul.u32 $0x640, s24;
	s25 =	sadd.s32 $0x2, s25;
	[sflag:s29] =	ssyncset.done $0x0  }
0x32: {  	s28 =	sadd.s32 $0x1, s23;
	s26 =	sshrl.u32 s26, $0x2;
	[sflag:s29] =	ssyncadd.s32 $0xFFFFFE70  }
.Ltmp0:
0x33: {  	_ =	swait.ge [sflag:s25], $0x3200;
	(pc) =	sbr.rel @p0 .LBB2_2-.Ltmp0, $4  }
0x34: {  	s23 =	sshrl.u32 s24, $0x2;
	s24 =	sadd.s32 $0x320, s26;
	[sflag:s25] =	ssyncset.done $0x0  }
0x35: {  	s21 =	sadd.s32 $0x3200, s21;
	s20 =	sadd.s32 $0x32, s20;
	[sflag:s25] =	ssyncadd.s32 $0xFFFFCE00  }
0x36: {  	[spmem:s3] =	stream.indirect.scatter.add.f32 [tilespmem:s24], [sflag:$0x5], $0x20, s23, s16, $0xb8;
	[tilespmem:$0x1EDC0] =	vst v63  }
0x37: {  	s24 =	sand.u32 $0x1, s22;
	s23 =	smov.u32 s28;
	_ =	swait.ge [sflag:s14], $0x3200  }
0x38: {  	s22 =	sadd.s32 $0xFFFFFFFF, s22;
	s23 =	smul.u32 $0x640, s24;
	[sflag:s14] =	ssyncset.done $0x0  }
0x39: {  	s25 =	smul.u32 $0xC800, s24;
	s21 =	sshrl.u32 s21, $0x3;
	s26 =	sshll.u32 s24, $0x1  }
0x3a: {  	s31 =	sshllo.u32 s24, $0x1;
	[sflag:s14] =	ssyncadd.s32 $0xFFFFCE00;
	s23 =	sshrl.u32 s23, $0x2  }
0x3b: {  	[tilespmem:s23], [sflag:s31] =	stream.linear.gather [hbm4b:s20+s4], $0x190, $0x38;
	[tilespmem:$0x1EDC0] =	vst v63  }
0x3c: {  	s28 =	sadd.s32 $0x2, s26;
	s25 =	sshrl.u32 s25, $0x2;
	s20 =	sand.u32 $0x1, s22  }
0x3d: {  	s21 =	sadd.s32 s5, s21;
	s22 =	sadd.s32 $0x320, s25;
	s29 =	sshllo.u32 s20, $0x1  }
0x3e: {  	[tilespmem:s22], [sflag:s28] =	stream.linear.gather [hbm4b:s21+s4], $0x3200, $0x38;
	[tilespmem:$0x1EDC0] =	vst v63  }
0x3f: {  	_ =	swait.ge [sflag:s29], $0x190  }
0x40: {  	s30 =	sshll.u32 s20, $0x1;
	[sflag:s29] =	ssyncset.done $0x0  }
0x41: {  	s31 =	smul.u32 $0xC800, s20;
	s21 =	sadd.s32 $0x2, s30;
	[sflag:s29] =	ssyncadd.s32 $0xFFFFFE70  }
0x42: {  	s20 =	smul.u32 $0x640, s20;
	_ =	swait.ge [sflag:s21], $0x3200  }
0x43: {  	s22 =	sshrl.u32 s31, $0x2;
	[sflag:s21] =	ssyncset.done $0x0  }
0x44: {  	s20 =	sshrl.u32 s20, $0x2;
	s22 =	sadd.s32 $0x320, s22;
	[sflag:s21] =	ssyncadd.s32 $0xFFFFCE00  }
0x45: {  	[spmem:s3] =	stream.indirect.scatter.add.f32 [tilespmem:s22], [sflag:$0x5], $0x20, s20, s16, $0xb8;
	[tilespmem:$0x1EDC0] =	vst v63  }
0x46: {  	_ =	swait.ge [sflag:s14], $0x3200  }
0x47: {  	[sflag:s14] =	ssyncset.done $0x0  }
0x48: {  	[sflag:s14] =	ssyncadd.s32 $0xFFFFCE00  }
0x49: {  	_ =	swait.ge [sflag:s17], $0x190  }
0x4a: {  	[sflag:s17] =	ssyncset.done $0x0  }
0x4b: {  	[sflag:s17] =	ssyncadd.s32 $0xFFFFFE70  }
0x4c: {  	_ =	swait.ge [sflag:s18], $0x3200  }
0x4d: {  	[sflag:s18] =	ssyncset.done $0x0  }
0x4e: {  	[sflag:s18] =	ssyncadd.s32 $0xFFFFCE00  }
0x4f: {  	[spmem:s3] =	stream.indirect.scatter.add.f32 [tilespmem:s15], [sflag:$0x5], $0x20, s4, s16, $0xb8;
	[tilespmem:$0x1EDC0] =	vst v63  }
0x50: {  	_ =	swait.ge [sflag:s14], $0x3200  }
0x51: {  	s19 =	sadd.s32 $0x1, s19;
	[sflag:s14] =	ssyncset.done $0x0  }
0x52: {  	p0 =	sne.s32 s19, s10;
	[sflag:s14] =	ssyncadd.s32 $0xFFFFCE00  }
.Ltmp1:
0x53: {  	[bflag:$0x0] =	sbarrier.arrive $0xFFFF;
	(pc) =	sbr.rel @p0 .LBB2_1-.Ltmp1, $4  }
0x54: {  	[hbm:s9], [sflag:s6] =	dma.local [spmem:s13], $0x30D4  }
0x55: {  	_ =	swait.ge [sflag:s14], $0x30D4  }
0x56: {  	[sflag:s14] =	ssyncset.done $0x0  }
0x57: {  	[sflag:s14] =	ssyncadd.s32 $0xFFFFCF2C  }
0x58: {  	_ =	sfence.sel $0x180000  }
0x59: {  	[bflag:$0x0] =	sbarrier.arrive $0xFFFF  }
0x5a: {  	p0 =	sne.s32 s2, $0x0;
	_ =	strace $0x9000004A  }
0x5b: {  	s0 =	sadd.s32 @!p0 $0x100000, s0;
	[bflag:$0x2] =	sbarrier.arrive $0xFFFF  }
0x5c: {  	[sflag:s0] =	ssyncadd.tile.s32 @!p0 $0x1;
	_ =	shalt  }
.Lfunc_end2:
_tile_overlayer_lowered:
.L_overlay_start_2:
0x5d: {  	(tag) =	ssettag $0x2  }
0x5e: {  	s0 =	rddreg [dreg:$0x0];
	s2 =	stileid.u32  }
0x5f: {  	s1 =	rddreg [dreg:$0x1];
	p0 =	sne.s32 s2, $0x0  }
0x60: {  	s3 =	rddreg [dreg:$0x2];
	[bflag:$0x3] =	sbarrier.arrive $0xFFFF;
	s2 =	simm.s32 @!p0 $0x1C05  }
0x61: {  	[timem:s3], [sflag:s2] =	dma.local @!p0 [hbm:s0], s1  }
0x62: {  	s0 =	simm.s32 @!p0 $0x5  }
0x63: {  	_ =	swait.ge @!p0 [sflag:s0], s1  }
0x64: {  	s1 =	ssub.s32 @!p0 $0x0, s1;
	[sflag:s0] =	ssyncset.done @!p0 $0x0  }
0x65: {  	[sflag:s0] =	ssyncadd.s32 @!p0 s1  }
0x66: {  	[bflag:$0x3] =	sbarrier.arrive $0xFFFF  }
0x67: {  	_ =	shalt  }

</sc_bundles>
